<compile_context>
chip_gen: v7x
topology: tpu7x:2x2x1
jax: 0.10.2.dev20260603
libtpu: 0.0.44.dev20260713+nightly
codegen_flags: <defaults>
</compile_context>

<pallas_src>
import functools

import jax
import jax.numpy as jnp
from jax import lax
from jax.experimental import pallas as pl
from jax.experimental.pallas import tpu as pltpu
from jax.experimental.pallas import tpu_sc as plsc

B = 64
N = 8192
K = 32
L = 16
NC = 2
NS = 16
ROWS_PER_W = B // (NC * NS)
GROUP = 16
NGROUPS = N // (L * GROUP)
NEG_INF = float("-inf")


def _sort16(v):
    return lax.sort(v, dimension=0)


def _merge_top32(vs, t0, t1):
    rt1 = lax.rev(t1, (0,))
    hi = jnp.maximum(vs, rt1)
    lo = jnp.minimum(vs, rt1)
    new_t1 = _sort16(hi)
    lo_s = _sort16(lo)
    rt0 = lax.rev(t0, (0,))
    hi2 = jnp.maximum(lo_s, rt0)
    new_t0 = _sort16(hi2)
    return new_t0, new_t1


def _popcnt(mask):
    return plsc.all_reduce_population_count(mask)[0]


def _kmax_body(x_hbm, out_hbm, rowa_v, rowb_v, canda_v, candb_v,
               outa_v, outb_v, ina_sem, inb_sem, outa_sem, outb_sem):
    c = lax.axis_index("c")
    s = lax.axis_index("s")
    wid = c * NS + s
    rowa = wid * ROWS_PER_W
    rowb = rowa + 1

    cpa = pltpu.async_copy(x_hbm.at[rowa], rowa_v, ina_sem)
    cpb = pltpu.async_copy(x_hbm.at[rowb], rowb_v, inb_sem)
    cpa.wait()
    cpb.wait()

    ninf_v = jnp.full((L,), NEG_INF, jnp.float32)

    def flush_one(cand_v, t0, t1, fl):
        vs = _sort16(cand_v[pl.ds(fl, L)])
        t0, t1 = _merge_top32(vs, t0, t1)
        return t0, t1, fl + L, jnp.broadcast_to(t0[0], (L,))

    def append_only(cand_v, vs, state):
        t0_, t1_, tvec_, cnt_, fl_ = state
        for v in vs:
            mj = v >= tvec_
            plsc.store_compressed(cand_v.at[pl.ds(cnt_, L)], v, mask=mj)
            cnt_ = cnt_ + _popcnt(mj)
        return t0_, t1_, tvec_, cnt_, fl_

    def flush_run(cand_v, state):
        t0_, t1_, tvec_, cnt_, fl_ = state

        def wcond(c2):
            return cnt_ - c2[2] >= L

        def wbody(c2):
            t0w, t1w, flw, _ = c2
            t0w, t1w, flw, tvw = flush_one(cand_v, t0w, t1w, flw)
            return t0w, t1w, flw, tvw

        t0_, t1_, fl_, tvec_ = lax.while_loop(
            wcond, wbody, (t0_, t1_, fl_, tvec_))
        return t0_, t1_, tvec_, cnt_, fl_

    z = jnp.int32(0)
    sta = (ninf_v, ninf_v, ninf_v, z, z)
    stb = (ninf_v, ninf_v, ninf_v, z, z)

    def scan_body(g, carry):
        sta, stb = carry
        base = g * (GROUP * L)
        va = [rowa_v[pl.ds(base + j * L, L)] for j in range(GROUP)]
        vb = [rowb_v[pl.ds(base + j * L, L)] for j in range(GROUP)]
        sta = append_only(canda_v, va, sta)
        stb = append_only(candb_v, vb, stb)
        sta = flush_run(canda_v, sta)
        stb = flush_run(candb_v, stb)
        return sta, stb

    sta, stb = lax.fori_loop(0, NGROUPS, scan_body, (sta, stb))

    def finalize(cand_v, state):
        t0, t1, tvec, cnt, fl = state
        cand_v[pl.ds(cnt, L)] = ninf_v

        def last_flush(c_):
            t0_, t1_, fl_ = c_
            t0_, t1_, fl_, _ = flush_one(cand_v, t0_, t1_, fl_)
            return t0_, t1_, fl_

        t0, t1, fl = lax.cond(cnt > fl, last_flush, lambda c_: c_,
                              (t0, t1, fl))
        thr = t0[0]
        ng = _popcnt(t0 > thr) + _popcnt(t1 > thr)
        return thr, cnt, ng

    thra, cnta, nga = finalize(canda_v, sta)
    thrb, cntb, ngb = finalize(candb_v, stb)

    def emit(cand_v, out_v, thr, cnt, ng):
        q = (cnt + (L - 1)) // L
        t_eq = K - ng

        def emit_body(i, carry):
            nsel, neq = carry
            v = cand_v[pl.ds(i * L, L)]
            gt = v > thr
            eq = v == thr
            eqc = jnp.cumsum(eq.astype(jnp.int32))
            sel = jnp.logical_or(
                gt, jnp.logical_and(eq, (neq + eqc) <= t_eq))
            sel_i = sel.astype(jnp.int32)
            selc = jnp.cumsum(sel_i)
            pos = jnp.clip(nsel + selc - 1, 0, 2 * K - 1)
            plsc.store_scatter(out_v, [pos], v, mask=sel)
            return nsel + _popcnt(sel), neq + _popcnt(eq)

        lax.fori_loop(0, q, emit_body, (jnp.int32(0), jnp.int32(0)))

    emit(canda_v, outa_v, thra, cnta, nga)
    wa = pltpu.async_copy(
        outa_v.at[pl.ds(0, K)], out_hbm.at[pl.ds(rowa * K, K)], outa_sem)
    emit(candb_v, outb_v, thrb, cntb, ngb)
    wb = pltpu.async_copy(
        outb_v.at[pl.ds(0, K)], out_hbm.at[pl.ds(rowb * K, K)], outb_sem)
    wa.wait()
    wb.wait()


@functools.lru_cache(maxsize=None)
def _build_kernel():
    mesh = plsc.VectorSubcoreMesh(
        core_axis_name="c", subcore_axis_name="s",
        num_cores=NC, num_subcores=NS)
    return pl.kernel(
        _kmax_body,
        out_type=jax.ShapeDtypeStruct((B * K,), jnp.float32),
        mesh=mesh,
        scratch_types=[
            pltpu.VMEM((N,), jnp.float32),
            pltpu.VMEM((N,), jnp.float32),
            pltpu.VMEM((N + 2 * L,), jnp.float32),
            pltpu.VMEM((N + 2 * L,), jnp.float32),
            pltpu.VMEM((2 * K,), jnp.float32),
            pltpu.VMEM((2 * K,), jnp.float32),
            pltpu.SemaphoreType.DMA,
            pltpu.SemaphoreType.DMA,
            pltpu.SemaphoreType.DMA,
            pltpu.SemaphoreType.DMA,
        ],
        compiler_params=pltpu.CompilerParams(needs_layout_passes=False),
    )


def kernel(x):
    return _build_kernel()(x).reshape(B, K)

# --- scband reference (transcript-rebuilt; emitter-appended) ---
"""Pipeline reference for scband-kmax-pooling-65498251264363 (READ-ONLY COPY).

The authoritative reference and input builder live on the scoring server;
editing this copy changes nothing except your own understanding.
"""

import jax, jax.numpy as jnp
import numpy as np

K = 32

def setup_inputs(seed: int = 0) -> dict:
    key = jax.random.key(seed)
    x = jax.random.normal(key, (64, 8192), dtype=jnp.float32)
    return {"x": x}

def reference(x):
    # kmax_pooling: topk along dim=1, sort the selected indices ascending,
    # then gather values at those indices (preserves original order of top-k elems).
    _, idx = jax.lax.top_k(x, K)           # idx: [B, K], along last axis (dim=1)
    idx = jnp.sort(idx, axis=1)            # sort indices ascending along dim=1
    out = jnp.take_along_axis(x, idx, axis=1)
    return out

if __name__ == "__main__":
    import jax
    _d = setup_inputs()
    print(jax.jit(kernel)(*tuple(_d.values())))

</pallas_src>

<mosaic_0001>
#map = affine_map<(d0, d1) -> (0, 0)>
#map1 = affine_map<(d0, d1) -> (0)>
module attributes {stable_mosaic.version = 14 : i64} {
  func.func @_kmax_body(%arg0: i32, %arg1: i32, %arg2: memref<64x8192xf32, #tpu.memory_space<hbm>>, %arg3: memref<2048xf32, #tpu.memory_space<hbm>>, %arg4: memref<8192xf32, #tpu.memory_space<vmem>>, %arg5: memref<8192xf32, #tpu.memory_space<vmem>>, %arg6: memref<8224xf32, #tpu.memory_space<vmem>>, %arg7: memref<8224xf32, #tpu.memory_space<vmem>>, %arg8: memref<64xf32, #tpu.memory_space<vmem>>, %arg9: memref<64xf32, #tpu.memory_space<vmem>>, %arg10: memref<!tpu.dma_semaphore, #tpu.memory_space<semaphore_mem>>, %arg11: memref<!tpu.dma_semaphore, #tpu.memory_space<semaphore_mem>>, %arg12: memref<!tpu.dma_semaphore, #tpu.memory_space<semaphore_mem>>, %arg13: memref<!tpu.dma_semaphore, #tpu.memory_space<semaphore_mem>>) attributes {dimension_semantics = [#tpu.dimension_semantics<core_parallel>, #tpu.dimension_semantics<subcore_parallel>], iteration_bounds = array<i64: 2, 16>, scalar_prefetch = 0 : i64, scratch_operands = 10 : i64, tpu.core_type = #tpu.core_type<sc_vector_subcore>, window_params = [{transform_indices = #map}, {transform_indices = #map1}]} {
    %mul3A = arith.constant 16 : i32
    %mul3A_0 = arith.muli %arg0, %mul3A : i32
    %add3A = arith.addi %mul3A_0, %arg1 : i32
    %mul3A_1 = arith.constant 2 : i32
    %mul3A_2 = arith.muli %add3A, %mul3A_1 : i32
    %add3A_3 = arith.constant 1 : i32
    %add3A_4 = arith.addi %mul3A_2, %add3A_3 : i32
    %dma_start3A = arith.constant 0 : i32
    %dma_start3A_5 = tpu.memref_slice %arg2[%mul3A_2, %dma_start3A] : memref<64x8192xf32, #tpu.memory_space<hbm>> -> memref<1x8192xf32, #tpu.memory_space<hbm>>
    %dma_start3A_6 = tpu.memref_squeeze %dma_start3A_5 : memref<1x8192xf32, #tpu.memory_space<hbm>> -> memref<8192xf32, #tpu.memory_space<hbm>>
    %dma_start3A_7 = arith.constant 0 : i32
    %dma_start3A_8 = tpu.memref_slice %arg2[%mul3A_2, %dma_start3A_7] : memref<64x8192xf32, #tpu.memory_space<hbm>> -> memref<1x8192xf32, #tpu.memory_space<hbm>>
    %dma_start3A_9 = tpu.memref_squeeze %dma_start3A_8 : memref<1x8192xf32, #tpu.memory_space<hbm>> -> memref<8192xf32, #tpu.memory_space<hbm>>
    tpu.enqueue_dma source(%dma_start3A_9 : memref<8192xf32, #tpu.memory_space<hbm>>) target(%arg4 : memref<8192xf32, #tpu.memory_space<vmem>>) target_semaphore(%arg10 : memref<!tpu.dma_semaphore, #tpu.memory_space<semaphore_mem>>)
    %dma_start3A_10 = arith.constant 0 : i32
    %dma_start3A_11 = tpu.memref_slice %arg2[%add3A_4, %dma_start3A_10] : memref<64x8192xf32, #tpu.memory_space<hbm>> -> memref<1x8192xf32, #tpu.memory_space<hbm>>
    %dma_start3A_12 = tpu.memref_squeeze %dma_start3A_11 : memref<1x8192xf32, #tpu.memory_space<hbm>> -> memref<8192xf32, #tpu.memory_space<hbm>>
    %dma_start3A_13 = arith.constant 0 : i32
    %dma_start3A_14 = tpu.memref_slice %arg2[%add3A_4, %dma_start3A_13] : memref<64x8192xf32, #tpu.memory_space<hbm>> -> memref<1x8192xf32, #tpu.memory_space<hbm>>
    %dma_start3A_15 = tpu.memref_squeeze %dma_start3A_14 : memref<1x8192xf32, #tpu.memory_space<hbm>> -> memref<8192xf32, #tpu.memory_space<hbm>>
    tpu.enqueue_dma source(%dma_start3A_15 : memref<8192xf32, #tpu.memory_space<hbm>>) target(%arg5 : memref<8192xf32, #tpu.memory_space<vmem>>) target_semaphore(%arg11 : memref<!tpu.dma_semaphore, #tpu.memory_space<semaphore_mem>>)
    %dma_wait3A = arith.constant 0 : i32
    %dma_wait3A_16 = tpu.memref_slice %arg2[%mul3A_2, %dma_wait3A] : memref<64x8192xf32, #tpu.memory_space<hbm>> -> memref<1x8192xf32, #tpu.memory_space<hbm>>
    %dma_wait3A_17 = tpu.memref_squeeze %dma_wait3A_16 : memref<1x8192xf32, #tpu.memory_space<hbm>> -> memref<8192xf32, #tpu.memory_space<hbm>>
    %dma_wait3A_18 = arith.constant 0 : i32
    %dma_wait3A_19 = tpu.memref_slice %arg2[%mul3A_2, %dma_wait3A_18] : memref<64x8192xf32, #tpu.memory_space<hbm>> -> memref<1x8192xf32, #tpu.memory_space<hbm>>
    %dma_wait3A_20 = tpu.memref_squeeze %dma_wait3A_19 : memref<1x8192xf32, #tpu.memory_space<hbm>> -> memref<8192xf32, #tpu.memory_space<hbm>>
    tpu.wait_dma2 semaphore(%arg10 : memref<!tpu.dma_semaphore, #tpu.memory_space<semaphore_mem>>) src(%dma_wait3A_20 : memref<8192xf32, #tpu.memory_space<hbm>>) dst(%arg4 : memref<8192xf32, #tpu.memory_space<vmem>>)
    %dma_wait3A_21 = arith.constant 0 : i32
    %dma_wait3A_22 = tpu.memref_slice %arg2[%add3A_4, %dma_wait3A_21] : memref<64x8192xf32, #tpu.memory_space<hbm>> -> memref<1x8192xf32, #tpu.memory_space<hbm>>
    %dma_wait3A_23 = tpu.memref_squeeze %dma_wait3A_22 : memref<1x8192xf32, #tpu.memory_space<hbm>> -> memref<8192xf32, #tpu.memory_space<hbm>>
    %dma_wait3A_24 = arith.constant 0 : i32
    %dma_wait3A_25 = tpu.memref_slice %arg2[%add3A_4, %dma_wait3A_24] : memref<64x8192xf32, #tpu.memory_space<hbm>> -> memref<1x8192xf32, #tpu.memory_space<hbm>>
    %dma_wait3A_26 = tpu.memref_squeeze %dma_wait3A_25 : memref<1x8192xf32, #tpu.memory_space<hbm>> -> memref<8192xf32, #tpu.memory_space<hbm>>
    tpu.wait_dma2 semaphore(%arg11 : memref<!tpu.dma_semaphore, #tpu.memory_space<semaphore_mem>>) src(%dma_wait3A_26 : memref<8192xf32, #tpu.memory_space<hbm>>) dst(%arg5 : memref<8192xf32, #tpu.memory_space<vmem>>)
    %broadcast_in_dim3A = arith.constant 0xFF800000 : f32
    %broadcast_in_dim3A_27 = vector.broadcast %broadcast_in_dim3A : f32 to vector<16xf32>
    %scan3A = arith.constant 0 : i32
    %scan3A_28 = arith.constant 0 : i32
    %scan3A_29 = arith.constant 0 : i32
    %scan3A_30 = arith.constant 0 : i32
    %scan3A_31 = arith.constant 0 : i32
    %scan3A_32 = arith.constant 32 : i32
    %scan3A_33 = arith.addi %scan3A_31, %scan3A_32 : i32
    %scan3A_34 = arith.constant 1 : i32
    %scan3A_35:10 = scf.for %scan3A_171 = %scan3A_31 to %scan3A_33 step %scan3A_34 iter_args(%scan3A_172 = %broadcast_in_dim3A_27, %scan3A_173 = %broadcast_in_dim3A_27, %scan3A_174 = %broadcast_in_dim3A_27, %scan3A_175 = %scan3A, %scan3A_176 = %scan3A_28, %scan3A_177 = %broadcast_in_dim3A_27, %scan3A_178 = %broadcast_in_dim3A_27, %scan3A_179 = %broadcast_in_dim3A_27, %scan3A_180 = %scan3A_29, %scan3A_181 = %scan3A_30) -> (vector<16xf32>, vector<16xf32>, vector<16xf32>, i32, i32, vector<16xf32>, vector<16xf32>, vector<16xf32>, i32, i32)  : i32 {
      %mul3A_182 = arith.constant 256 : i32
      %mul3A_183 = arith.muli %scan3A_171, %mul3A_182 : i32
      %add3A_184 = arith.constant 0 : i32
      %add3A_185 = arith.addi %mul3A_183, %add3A_184 : i32
      %get3A = arith.index_cast %add3A_185 : i32 to index
      %get3A_186 = tpu.vector_load %arg4[%get3A] {strides = array<i32>} : memref<8192xf32, #tpu.memory_space<vmem>>, vector<16xf32>,
      %add3A_187 = arith.constant 16 : i32
      %add3A_188 = arith.addi %mul3A_183, %add3A_187 : i32
      %get3A_189 = arith.index_cast %add3A_188 : i32 to index
      %get3A_190 = tpu.vector_load %arg4[%get3A_189] {strides = array<i32>} : memref<8192xf32, #tpu.memory_space<vmem>>, vector<16xf32>,
      %add3A_191 = arith.constant 32 : i32
      %add3A_192 = arith.addi %mul3A_183, %add3A_191 : i32
      %get3A_193 = arith.index_cast %add3A_192 : i32 to index
      %get3A_194 = tpu.vector_load %arg4[%get3A_193] {strides = array<i32>} : memref<8192xf32, #tpu.memory_space<vmem>>, vector<16xf32>,
      %add3A_195 = arith.constant 48 : i32
      %add3A_196 = arith.addi %mul3A_183, %add3A_195 : i32
      %get3A_197 = arith.index_cast %add3A_196 : i32 to index
      %get3A_198 = tpu.vector_load %arg4[%get3A_197] {strides = array<i32>} : memref<8192xf32, #tpu.memory_space<vmem>>, vector<16xf32>,
      %add3A_199 = arith.constant 64 : i32
      %add3A_200 = arith.addi %mul3A_183, %add3A_199 : i32
      %get3A_201 = arith.index_cast %add3A_200 : i32 to index
      %get3A_202 = tpu.vector_load %arg4[%get3A_201] {strides = array<i32>} : memref<8192xf32, #tpu.memory_space<vmem>>, vector<16xf32>,
      %add3A_203 = arith.constant 80 : i32
      %add3A_204 = arith.addi %mul3A_183, %add3A_203 : i32
      %get3A_205 = arith.index_cast %add3A_204 : i32 to index
      %get3A_206 = tpu.vector_load %arg4[%get3A_205] {strides = array<i32>} : memref<8192xf32, #tpu.memory_space<vmem>>, vector<16xf32>,
      %add3A_207 = arith.constant 96 : i32
      %add3A_208 = arith.addi %mul3A_183, %add3A_207 : i32
      %get3A_209 = arith.index_cast %add3A_208 : i32 to index
      %get3A_210 = tpu.vector_load %arg4[%get3A_209] {strides = array<i32>} : memref<8192xf32, #tpu.memory_space<vmem>>, vector<16xf32>,
      %add3A_211 = arith.constant 112 : i32
      %add3A_212 = arith.addi %mul3A_183, %add3A_211 : i32
      %get3A_213 = arith.index_cast %add3A_212 : i32 to index
      %get3A_214 = tpu.vector_load %arg4[%get3A_213] {strides = array<i32>} : memref<8192xf32, #tpu.memory_space<vmem>>, vector<16xf32>,
      %add3A_215 = arith.constant 128 : i32
      %add3A_216 = arith.addi %mul3A_183, %add3A_215 : i32
      %get3A_217 = arith.index_cast %add3A_216 : i32 to index
      %get3A_218 = tpu.vector_load %arg4[%get3A_217] {strides = array<i32>} : memref<8192xf32, #tpu.memory_space<vmem>>, vector<16xf32>,
      %add3A_219 = arith.constant 144 : i32
      %add3A_220 = arith.addi %mul3A_183, %add3A_219 : i32
      %get3A_221 = arith.index_cast %add3A_220 : i32 to index
      %get3A_222 = tpu.vector_load %arg4[%get3A_221] {strides = array<i32>} : memref<8192xf32, #tpu.memory_space<vmem>>, vector<16xf32>,
      %add3A_223 = arith.constant 160 : i32
      %add3A_224 = arith.addi %mul3A_183, %add3A_223 : i32
      %get3A_225 = arith.index_cast %add3A_224 : i32 to index
      %get3A_226 = tpu.vector_load %arg4[%get3A_225] {strides = array<i32>} : memref<8192xf32, #tpu.memory_space<vmem>>, vector<16xf32>,
      %add3A_227 = arith.constant 176 : i32
      %add3A_228 = arith.addi %mul3A_183, %add3A_227 : i32
      %get3A_229 = arith.index_cast %add3A_228 : i32 to index
      %get3A_230 = tpu.vector_load %arg4[%get3A_229] {strides = array<i32>} : memref<8192xf32, #tpu.memory_space<vmem>>, vector<16xf32>,
      %add3A_231 = arith.constant 192 : i32
      %add3A_232 = arith.addi %mul3A_183, %add3A_231 : i32
      %get3A_233 = arith.index_cast %add3A_232 : i32 to index
      %get3A_234 = tpu.vector_load %arg4[%get3A_233] {strides = array<i32>} : memref<8192xf32, #tpu.memory_space<vmem>>, vector<16xf32>,
      %add3A_235 = arith.constant 208 : i32
      %add3A_236 = arith.addi %mul3A_183, %add3A_235 : i32
      %get3A_237 = arith.index_cast %add3A_236 : i32 to index
      %get3A_238 = tpu.vector_load %arg4[%get3A_237] {strides = array<i32>} : memref<8192xf32, #tpu.memory_space<vmem>>, vector<16xf32>,
      %add3A_239 = arith.constant 224 : i32
      %add3A_240 = arith.addi %mul3A_183, %add3A_239 : i32
      %get3A_241 = arith.index_cast %add3A_240 : i32 to index
      %get3A_242 = tpu.vector_load %arg4[%get3A_241] {strides = array<i32>} : memref<8192xf32, #tpu.memory_space<vmem>>, vector<16xf32>,
      %add3A_243 = arith.constant 240 : i32
      %add3A_244 = arith.addi %mul3A_183, %add3A_243 : i32
      %get3A_245 = arith.index_cast %add3A_244 : i32 to index
      %get3A_246 = tpu.vector_load %arg4[%get3A_245] {strides = array<i32>} : memref<8192xf32, #tpu.memory_space<vmem>>, vector<16xf32>,
      %add3A_247 = arith.constant 0 : i32
      %add3A_248 = arith.addi %mul3A_183, %add3A_247 : i32
      %get3A_249 = arith.index_cast %add3A_248 : i32 to index
      %get3A_250 = tpu.vector_load %arg5[%get3A_249] {strides = array<i32>} : memref<8192xf32, #tpu.memory_space<vmem>>, vector<16xf32>,
      %add3A_251 = arith.constant 16 : i32
      %add3A_252 = arith.addi %mul3A_183, %add3A_251 : i32
      %get3A_253 = arith.index_cast %add3A_252 : i32 to index
      %get3A_254 = tpu.vector_load %arg5[%get3A_253] {strides = array<i32>} : memref<8192xf32, #tpu.memory_space<vmem>>, vector<16xf32>,
      %add3A_255 = arith.constant 32 : i32
      %add3A_256 = arith.addi %mul3A_183, %add3A_255 : i32
      %get3A_257 = arith.index_cast %add3A_256 : i32 to index
      %get3A_258 = tpu.vector_load %arg5[%get3A_257] {strides = array<i32>} : memref<8192xf32, #tpu.memory_space<vmem>>, vector<16xf32>,
      %add3A_259 = arith.constant 48 : i32
      %add3A_260 = arith.addi %mul3A_183, %add3A_259 : i32
      %get3A_261 = arith.index_cast %add3A_260 : i32 to index
      %get3A_262 = tpu.vector_load %arg5[%get3A_261] {strides = array<i32>} : memref<8192xf32, #tpu.memory_space<vmem>>, vector<16xf32>,
      %add3A_263 = arith.constant 64 : i32
      %add3A_264 = arith.addi %mul3A_183, %add3A_263 : i32
      %get3A_265 = arith.index_cast %add3A_264 : i32 to index
      %get3A_266 = tpu.vector_load %arg5[%get3A_265] {strides = array<i32>} : memref<8192xf32, #tpu.memory_space<vmem>>, vector<16xf32>,
      %add3A_267 = arith.constant 80 : i32
      %add3A_268 = arith.addi %mul3A_183, %add3A_267 : i32
      %get3A_269 = arith.index_cast %add3A_268 : i32 to index
      %get3A_270 = tpu.vector_load %arg5[%get3A_269] {strides = array<i32>} : memref<8192xf32, #tpu.memory_space<vmem>>, vector<16xf32>,
      %add3A_271 = arith.constant 96 : i32
      %add3A_272 = arith.addi %mul3A_183, %add3A_271 : i32
      %get3A_273 = arith.index_cast %add3A_272 : i32 to index
      %get3A_274 = tpu.vector_load %arg5[%get3A_273] {strides = array<i32>} : memref<8192xf32, #tpu.memory_space<vmem>>, vector<16xf32>,
      %add3A_275 = arith.constant 112 : i32
      %add3A_276 = arith.addi %mul3A_183, %add3A_275 : i32
      %get3A_277 = arith.index_cast %add3A_276 : i32 to index
      %get3A_278 = tpu.vector_load %arg5[%get3A_277] {strides = array<i32>} : memref<8192xf32, #tpu.memory_space<vmem>>, vector<16xf32>,
      %add3A_279 = arith.constant 128 : i32
      %add3A_280 = arith.addi %mul3A_183, %add3A_279 : i32
      %get3A_281 = arith.index_cast %add3A_280 : i32 to index
      %get3A_282 = tpu.vector_load %arg5[%get3A_281] {strides = array<i32>} : memref<8192xf32, #tpu.memory_space<vmem>>, vector<16xf32>,
      %add3A_283 = arith.constant 144 : i32
      %add3A_284 = arith.addi %mul3A_183, %add3A_283 : i32
      %get3A_285 = arith.index_cast %add3A_284 : i32 to index
      %get3A_286 = tpu.vector_load %arg5[%get3A_285] {strides = array<i32>} : memref<8192xf32, #tpu.memory_space<vmem>>, vector<16xf32>,
      %add3A_287 = arith.constant 160 : i32
      %add3A_288 = arith.addi %mul3A_183, %add3A_287 : i32
      %get3A_289 = arith.index_cast %add3A_288 : i32 to index
      %get3A_290 = tpu.vector_load %arg5[%get3A_289] {strides = array<i32>} : memref<8192xf32, #tpu.memory_space<vmem>>, vector<16xf32>,
      %add3A_291 = arith.constant 176 : i32
      %add3A_292 = arith.addi %mul3A_183, %add3A_291 : i32
      %get3A_293 = arith.index_cast %add3A_292 : i32 to index
      %get3A_294 = tpu.vector_load %arg5[%get3A_293] {strides = array<i32>} : memref<8192xf32, #tpu.memory_space<vmem>>, vector<16xf32>,
      %add3A_295 = arith.constant 192 : i32
      %add3A_296 = arith.addi %mul3A_183, %add3A_295 : i32
      %get3A_297 = arith.index_cast %add3A_296 : i32 to index
      %get3A_298 = tpu.vector_load %arg5[%get3A_297] {strides = array<i32>} : memref<8192xf32, #tpu.memory_space<vmem>>, vector<16xf32>,
      %add3A_299 = arith.constant 208 : i32
      %add3A_300 = arith.addi %mul3A_183, %add3A_299 : i32
      %get3A_301 = arith.index_cast %add3A_300 : i32 to index
      %get3A_302 = tpu.vector_load %arg5[%get3A_301] {strides = array<i32>} : memref<8192xf32, #tpu.memory_space<vmem>>, vector<16xf32>,
      %add3A_303 = arith.constant 224 : i32
      %add3A_304 = arith.addi %mul3A_183, %add3A_303 : i32
      %get3A_305 = arith.index_cast %add3A_304 : i32 to index
      %get3A_306 = tpu.vector_load %arg5[%get3A_305] {strides = array<i32>} : memref<8192xf32, #tpu.memory_space<vmem>>, vector<16xf32>,
      %add3A_307 = arith.constant 240 : i32
      %add3A_308 = arith.addi %mul3A_183, %add3A_307 : i32
      %get3A_309 = arith.index_cast %add3A_308 : i32 to index
      %get3A_310 = tpu.vector_load %arg5[%get3A_309] {strides = array<i32>} : memref<8192xf32, #tpu.memory_space<vmem>>, vector<16xf32>,
      %ge3A = arith.cmpf oge, %get3A_186, %scan3A_174 : vector<16xf32>
      %swap3A_311 = arith.index_cast %scan3A_175 : i32 to index
      %swap3A_312 = tpu.vector_load %arg6[%swap3A_311] masked %ge3A {strides = array<i32>} : memref<8224xf32, #tpu.memory_space<vmem>>, vector<16xf32>, vector<16xi1>
      tpu.vector_store %arg6[%swap3A_311], %get3A_186 masked %ge3A {strides = array<i32>} : memref<8224xf32, #tpu.memory_space<vmem>>, vector<16xf32>, vector<16xi1>
      %all_reduce_population_count3A_313 = tpu.all_reduce %ge3A {dim = 0 : i64, kind = #tpu.reduction_kind<sum>} : vector<16xi1> -> vector<16xi32>
      %slice3A_314 = vector.extract_strided_slice %all_reduce_population_count3A_313 {offsets = [0], sizes = [1], strides = [1]} : vector<16xi32> to vector<1xi32>
      %squeeze3A_315 = vector.extract %slice3A_314[0] : i32 from vector<1xi32>
      %add3A_316 = arith.addi %scan3A_175, %squeeze3A_315 : i32
      %ge3A_317 = arith.cmpf oge, %get3A_190, %scan3A_174 : vector<16xf32>
      %swap3A_318 = arith.index_cast %add3A_316 : i32 to index
      %swap3A_319 = tpu.vector_load %arg6[%swap3A_318] masked %ge3A_317 {strides = array<i32>} : memref<8224xf32, #tpu.memory_space<vmem>>, vector<16xf32>, vector<16xi1>
      tpu.vector_store %arg6[%swap3A_318], %get3A_190 masked %ge3A_317 {strides = array<i32>} : memref<8224xf32, #tpu.memory_space<vmem>>, vector<16xf32>, vector<16xi1>
      %all_reduce_population_count3A_320 = tpu.all_reduce %ge3A_317 {dim = 0 : i64, kind = #tpu.reduction_kind<sum>} : vector<16xi1> -> vector<16xi32>
      %slice3A_321 = vector.extract_strided_slice %all_reduce_population_count3A_320 {offsets = [0], sizes = [1], strides = [1]} : vector<16xi32> to vector<1xi32>
      %squeeze3A_322 = vector.extract %slice3A_321[0] : i32 from vector<1xi32>
      %add3A_323 = arith.addi %add3A_316, %squeeze3A_322 : i32
      %ge3A_324 = arith.cmpf oge, %get3A_194, %scan3A_174 : vector<16xf32>
      %swap3A_325 = arith.index_cast %add3A_323 : i32 to index
      %swap3A_326 = tpu.vector_load %arg6[%swap3A_325] masked %ge3A_324 {strides = array<i32>} : memref<8224xf32, #tpu.memory_space<vmem>>, vector<16xf32>, vector<16xi1>
      tpu.vector_store %arg6[%swap3A_325], %get3A_194 masked %ge3A_324 {strides = array<i32>} : memref<8224xf32, #tpu.memory_space<vmem>>, vector<16xf32>, vector<16xi1>
      %all_reduce_population_count3A_327 = tpu.all_reduce %ge3A_324 {dim = 0 : i64, kind = #tpu.reduction_kind<sum>} : vector<16xi1> -> vector<16xi32>
      %slice3A_328 = vector.extract_strided_slice %all_reduce_population_count3A_327 {offsets = [0], sizes = [1], strides = [1]} : vector<16xi32> to vector<1xi32>
      %squeeze3A_329 = vector.extract %slice3A_328[0] : i32 from vector<1xi32>
      %add3A_330 = arith.addi %add3A_323, %squeeze3A_329 : i32
      %ge3A_331 = arith.cmpf oge, %get3A_198, %scan3A_174 : vector<16xf32>
      %swap3A_332 = arith.index_cast %add3A_330 : i32 to index
      %swap3A_333 = tpu.vector_load %arg6[%swap3A_332] masked %ge3A_331 {strides = array<i32>} : memref<8224xf32, #tpu.memory_space<vmem>>, vector<16xf32>, vector<16xi1>
      tpu.vector_store %arg6[%swap3A_332], %get3A_198 masked %ge3A_331 {strides = array<i32>} : memref<8224xf32, #tpu.memory_space<vmem>>, vector<16xf32>, vector<16xi1>
      %all_reduce_population_count3A_334 = tpu.all_reduce %ge3A_331 {dim = 0 : i64, kind = #tpu.reduction_kind<sum>} : vector<16xi1> -> vector<16xi32>
      %slice3A_335 = vector.extract_strided_slice %all_reduce_population_count3A_334 {offsets = [0], sizes = [1], strides = [1]} : vector<16xi32> to vector<1xi32>
      %squeeze3A_336 = vector.extract %slice3A_335[0] : i32 from vector<1xi32>
      %add3A_337 = arith.addi %add3A_330, %squeeze3A_336 : i32
      %ge3A_338 = arith.cmpf oge, %get3A_202, %scan3A_174 : vector<16xf32>
      %swap3A_339 = arith.index_cast %add3A_337 : i32 to index
      %swap3A_340 = tpu.vector_load %arg6[%swap3A_339] masked %ge3A_338 {strides = array<i32>} : memref<8224xf32, #tpu.memory_space<vmem>>, vector<16xf32>, vector<16xi1>
      tpu.vector_store %arg6[%swap3A_339], %get3A_202 masked %ge3A_338 {strides = array<i32>} : memref<8224xf32, #tpu.memory_space<vmem>>, vector<16xf32>, vector<16xi1>
      %all_reduce_population_count3A_341 = tpu.all_reduce %ge3A_338 {dim = 0 : i64, kind = #tpu.reduction_kind<sum>} : vector<16xi1> -> vector<16xi32>
      %slice3A_342 = vector.extract_strided_slice %all_reduce_population_count3A_341 {offsets = [0], sizes = [1], strides = [1]} : vector<16xi32> to vector<1xi32>
      %squeeze3A_343 = vector.extract %slice3A_342[0] : i32 from vector<1xi32>
      %add3A_344 = arith.addi %add3A_337, %squeeze3A_343 : i32
      %ge3A_345 = arith.cmpf oge, %get3A_206, %scan3A_174 : vector<16xf32>
      %swap3A_346 = arith.index_cast %add3A_344 : i32 to index
      %swap3A_347 = tpu.vector_load %arg6[%swap3A_346] masked %ge3A_345 {strides = array<i32>} : memref<8224xf32, #tpu.memory_space<vmem>>, vector<16xf32>, vector<16xi1>
      tpu.vector_store %arg6[%swap3A_346], %get3A_206 masked %ge3A_345 {strides = array<i32>} : memref<8224xf32, #tpu.memory_space<vmem>>, vector<16xf32>, vector<16xi1>
      %all_reduce_population_count3A_348 = tpu.all_reduce %ge3A_345 {dim = 0 : i64, kind = #tpu.reduction_kind<sum>} : vector<16xi1> -> vector<16xi32>
      %slice3A_349 = vector.extract_strided_slice %all_reduce_population_count3A_348 {offsets = [0], sizes = [1], strides = [1]} : vector<16xi32> to vector<1xi32>
      %squeeze3A_350 = vector.extract %slice3A_349[0] : i32 from vector<1xi32>
      %add3A_351 = arith.addi %add3A_344, %squeeze3A_350 : i32
      %ge3A_352 = arith.cmpf oge, %get3A_210, %scan3A_174 : vector<16xf32>
      %swap3A_353 = arith.index_cast %add3A_351 : i32 to index
      %swap3A_354 = tpu.vector_load %arg6[%swap3A_353] masked %ge3A_352 {strides = array<i32>} : memref<8224xf32, #tpu.memory_space<vmem>>, vector<16xf32>, vector<16xi1>
      tpu.vector_store %arg6[%swap3A_353], %get3A_210 masked %ge3A_352 {strides = array<i32>} : memref<8224xf32, #tpu.memory_space<vmem>>, vector<16xf32>, vector<16xi1>
      %all_reduce_population_count3A_355 = tpu.all_reduce %ge3A_352 {dim = 0 : i64, kind = #tpu.reduction_kind<sum>} : vector<16xi1> -> vector<16xi32>
      %slice3A_356 = vector.extract_strided_slice %all_reduce_population_count3A_355 {offsets = [0], sizes = [1], strides = [1]} : vector<16xi32> to vector<1xi32>
      %squeeze3A_357 = vector.extract %slice3A_356[0] : i32 from vector<1xi32>
      %add3A_358 = arith.addi %add3A_351, %squeeze3A_357 : i32
      %ge3A_359 = arith.cmpf oge, %get3A_214, %scan3A_174 : vector<16xf32>
      %swap3A_360 = arith.index_cast %add3A_358 : i32 to index
      %swap3A_361 = tpu.vector_load %arg6[%swap3A_360] masked %ge3A_359 {strides = array<i32>} : memref<8224xf32, #tpu.memory_space<vmem>>, vector<16xf32>, vector<16xi1>
      tpu.vector_store %arg6[%swap3A_360], %get3A_214 masked %ge3A_359 {strides = array<i32>} : memref<8224xf32, #tpu.memory_space<vmem>>, vector<16xf32>, vector<16xi1>
      %all_reduce_population_count3A_362 = tpu.all_reduce %ge3A_359 {dim = 0 : i64, kind = #tpu.reduction_kind<sum>} : vector<16xi1> -> vector<16xi32>
      %slice3A_363 = vector.extract_strided_slice %all_reduce_population_count3A_362 {offsets = [0], sizes = [1], strides = [1]} : vector<16xi32> to vector<1xi32>
      %squeeze3A_364 = vector.extract %slice3A_363[0] : i32 from vector<1xi32>
      %add3A_365 = arith.addi %add3A_358, %squeeze3A_364 : i32
      %ge3A_366 = arith.cmpf oge, %get3A_218, %scan3A_174 : vector<16xf32>
      %swap3A_367 = arith.index_cast %add3A_365 : i32 to index
      %swap3A_368 = tpu.vector_load %arg6[%swap3A_367] masked %ge3A_366 {strides = array<i32>} : memref<8224xf32, #tpu.memory_space<vmem>>, vector<16xf32>, vector<16xi1>
      tpu.vector_store %arg6[%swap3A_367], %get3A_218 masked %ge3A_366 {strides = array<i32>} : memref<8224xf32, #tpu.memory_space<vmem>>, vector<16xf32>, vector<16xi1>
      %all_reduce_population_count3A_369 = tpu.all_reduce %ge3A_366 {dim = 0 : i64, kind = #tpu.reduction_kind<sum>} : vector<16xi1> -> vector<16xi32>
      %slice3A_370 = vector.extract_strided_slice %all_reduce_population_count3A_369 {offsets = [0], sizes = [1], strides = [1]} : vector<16xi32> to vector<1xi32>
      %squeeze3A_371 = vector.extract %slice3A_370[0] : i32 from vector<1xi32>
      %add3A_372 = arith.addi %add3A_365, %squeeze3A_371 : i32
      %ge3A_373 = arith.cmpf oge, %get3A_222, %scan3A_174 : vector<16xf32>
      %swap3A_374 = arith.index_cast %add3A_372 : i32 to index
      %swap3A_375 = tpu.vector_load %arg6[%swap3A_374] masked %ge3A_373 {strides = array<i32>} : memref<8224xf32, #tpu.memory_space<vmem>>, vector<16xf32>, vector<16xi1>
      tpu.vector_store %arg6[%swap3A_374], %get3A_222 masked %ge3A_373 {strides = array<i32>} : memref<8224xf32, #tpu.memory_space<vmem>>, vector<16xf32>, vector<16xi1>
      %all_reduce_population_count3A_376 = tpu.all_reduce %ge3A_373 {dim = 0 : i64, kind = #tpu.reduction_kind<sum>} : vector<16xi1> -> vector<16xi32>
      %slice3A_377 = vector.extract_strided_slice %all_reduce_population_count3A_376 {offsets = [0], sizes = [1], strides = [1]} : vector<16xi32> to vector<1xi32>
      %squeeze3A_378 = vector.extract %slice3A_377[0] : i32 from vector<1xi32>
      %add3A_379 = arith.addi %add3A_372, %squeeze3A_378 : i32
      %ge3A_380 = arith.cmpf oge, %get3A_226, %scan3A_174 : vector<16xf32>
      %swap3A_381 = arith.index_cast %add3A_379 : i32 to index
      %swap3A_382 = tpu.vector_load %arg6[%swap3A_381] masked %ge3A_380 {strides = array<i32>} : memref<8224xf32, #tpu.memory_space<vmem>>, vector<16xf32>, vector<16xi1>
      tpu.vector_store %arg6[%swap3A_381], %get3A_226 masked %ge3A_380 {strides = array<i32>} : memref<8224xf32, #tpu.memory_space<vmem>>, vector<16xf32>, vector<16xi1>
      %all_reduce_population_count3A_383 = tpu.all_reduce %ge3A_380 {dim = 0 : i64, kind = #tpu.reduction_kind<sum>} : vector<16xi1> -> vector<16xi32>
      %slice3A_384 = vector.extract_strided_slice %all_reduce_population_count3A_383 {offsets = [0], sizes = [1], strides = [1]} : vector<16xi32> to vector<1xi32>
      %squeeze3A_385 = vector.extract %slice3A_384[0] : i32 from vector<1xi32>
      %add3A_386 = arith.addi %add3A_379, %squeeze3A_385 : i32
      %ge3A_387 = arith.cmpf oge, %get3A_230, %scan3A_174 : vector<16xf32>
      %swap3A_388 = arith.index_cast %add3A_386 : i32 to index
      %swap3A_389 = tpu.vector_load %arg6[%swap3A_388] masked %ge3A_387 {strides = array<i32>} : memref<8224xf32, #tpu.memory_space<vmem>>, vector<16xf32>, vector<16xi1>
      tpu.vector_store %arg6[%swap3A_388], %get3A_230 masked %ge3A_387 {strides = array<i32>} : memref<8224xf32, #tpu.memory_space<vmem>>, vector<16xf32>, vector<16xi1>
      %all_reduce_population_count3A_390 = tpu.all_reduce %ge3A_387 {dim = 0 : i64, kind = #tpu.reduction_kind<sum>} : vector<16xi1> -> vector<16xi32>
      %slice3A_391 = vector.extract_strided_slice %all_reduce_population_count3A_390 {offsets = [0], sizes = [1], strides = [1]} : vector<16xi32> to vector<1xi32>
      %squeeze3A_392 = vector.extract %slice3A_391[0] : i32 from vector<1xi32>
      %add3A_393 = arith.addi %add3A_386, %squeeze3A_392 : i32
      %ge3A_394 = arith.cmpf oge, %get3A_234, %scan3A_174 : vector<16xf32>
      %swap3A_395 = arith.index_cast %add3A_393 : i32 to index
      %swap3A_396 = tpu.vector_load %arg6[%swap3A_395] masked %ge3A_394 {strides = array<i32>} : memref<8224xf32, #tpu.memory_space<vmem>>, vector<16xf32>, vector<16xi1>
      tpu.vector_store %arg6[%swap3A_395], %get3A_234 masked %ge3A_394 {strides = array<i32>} : memref<8224xf32, #tpu.memory_space<vmem>>, vector<16xf32>, vector<16xi1>
      %all_reduce_population_count3A_397 = tpu.all_reduce %ge3A_394 {dim = 0 : i64, kind = #tpu.reduction_kind<sum>} : vector<16xi1> -> vector<16xi32>
      %slice3A_398 = vector.extract_strided_slice %all_reduce_population_count3A_397 {offsets = [0], sizes = [1], strides = [1]} : vector<16xi32> to vector<1xi32>
      %squeeze3A_399 = vector.extract %slice3A_398[0] : i32 from vector<1xi32>
      %add3A_400 = arith.addi %add3A_393, %squeeze3A_399 : i32
      %ge3A_401 = arith.cmpf oge, %get3A_238, %scan3A_174 : vector<16xf32>
      %swap3A_402 = arith.index_cast %add3A_400 : i32 to index
      %swap3A_403 = tpu.vector_load %arg6[%swap3A_402] masked %ge3A_401 {strides = array<i32>} : memref<8224xf32, #tpu.memory_space<vmem>>, vector<16xf32>, vector<16xi1>
      tpu.vector_store %arg6[%swap3A_402], %get3A_238 masked %ge3A_401 {strides = array<i32>} : memref<8224xf32, #tpu.memory_space<vmem>>, vector<16xf32>, vector<16xi1>
      %all_reduce_population_count3A_404 = tpu.all_reduce %ge3A_401 {dim = 0 : i64, kind = #tpu.reduction_kind<sum>} : vector<16xi1> -> vector<16xi32>
      %slice3A_405 = vector.extract_strided_slice %all_reduce_population_count3A_404 {offsets = [0], sizes = [1], strides = [1]} : vector<16xi32> to vector<1xi32>
      %squeeze3A_406 = vector.extract %slice3A_405[0] : i32 from vector<1xi32>
      %add3A_407 = arith.addi %add3A_400, %squeeze3A_406 : i32
      %ge3A_408 = arith.cmpf oge, %get3A_242, %scan3A_174 : vector<16xf32>
      %swap3A_409 = arith.index_cast %add3A_407 : i32 to index
      %swap3A_410 = tpu.vector_load %arg6[%swap3A_409] masked %ge3A_408 {strides = array<i32>} : memref<8224xf32, #tpu.memory_space<vmem>>, vector<16xf32>, vector<16xi1>
      tpu.vector_store %arg6[%swap3A_409], %get3A_242 masked %ge3A_408 {strides = array<i32>} : memref<8224xf32, #tpu.memory_space<vmem>>, vector<16xf32>, vector<16xi1>
      %all_reduce_population_count3A_411 = tpu.all_reduce %ge3A_408 {dim = 0 : i64, kind = #tpu.reduction_kind<sum>} : vector<16xi1> -> vector<16xi32>
      %slice3A_412 = vector.extract_strided_slice %all_reduce_population_count3A_411 {offsets = [0], sizes = [1], strides = [1]} : vector<16xi32> to vector<1xi32>
      %squeeze3A_413 = vector.extract %slice3A_412[0] : i32 from vector<1xi32>
      %add3A_414 = arith.addi %add3A_407, %squeeze3A_413 : i32
      %ge3A_415 = arith.cmpf oge, %get3A_246, %scan3A_174 : vector<16xf32>
      %swap3A_416 = arith.index_cast %add3A_414 : i32 to index
      %swap3A_417 = tpu.vector_load %arg6[%swap3A_416] masked %ge3A_415 {strides = array<i32>} : memref<8224xf32, #tpu.memory_space<vmem>>, vector<16xf32>, vector<16xi1>
      tpu.vector_store %arg6[%swap3A_416], %get3A_246 masked %ge3A_415 {strides = array<i32>} : memref<8224xf32, #tpu.memory_space<vmem>>, vector<16xf32>, vector<16xi1>
      %all_reduce_population_count3A_418 = tpu.all_reduce %ge3A_415 {dim = 0 : i64, kind = #tpu.reduction_kind<sum>} : vector<16xi1> -> vector<16xi32>
      %slice3A_419 = vector.extract_strided_slice %all_reduce_population_count3A_418 {offsets = [0], sizes = [1], strides = [1]} : vector<16xi32> to vector<1xi32>
      %squeeze3A_420 = vector.extract %slice3A_419[0] : i32 from vector<1xi32>
      %add3A_421 = arith.addi %add3A_414, %squeeze3A_420 : i32
      %ge3A_422 = arith.cmpf oge, %get3A_250, %scan3A_179 : vector<16xf32>
      %swap3A_423 = arith.index_cast %scan3A_180 : i32 to index
      %swap3A_424 = tpu.vector_load %arg7[%swap3A_423] masked %ge3A_422 {strides = array<i32>} : memref<8224xf32, #tpu.memory_space<vmem>>, vector<16xf32>, vector<16xi1>
      tpu.vector_store %arg7[%swap3A_423], %get3A_250 masked %ge3A_422 {strides = array<i32>} : memref<8224xf32, #tpu.memory_space<vmem>>, vector<16xf32>, vector<16xi1>
      %all_reduce_population_count3A_425 = tpu.all_reduce %ge3A_422 {dim = 0 : i64, kind = #tpu.reduction_kind<sum>} : vector<16xi1> -> vector<16xi32>
      %slice3A_426 = vector.extract_strided_slice %all_reduce_population_count3A_425 {offsets = [0], sizes = [1], strides = [1]} : vector<16xi32> to vector<1xi32>
      %squeeze3A_427 = vector.extract %slice3A_426[0] : i32 from vector<1xi32>
      %add3A_428 = arith.addi %scan3A_180, %squeeze3A_427 : i32
      %ge3A_429 = arith.cmpf oge, %get3A_254, %scan3A_179 : vector<16xf32>
      %swap3A_430 = arith.index_cast %add3A_428 : i32 to index
      %swap3A_431 = tpu.vector_load %arg7[%swap3A_430] masked %ge3A_429 {strides = array<i32>} : memref<8224xf32, #tpu.memory_space<vmem>>, vector<16xf32>, vector<16xi1>
      tpu.vector_store %arg7[%swap3A_430], %get3A_254 masked %ge3A_429 {strides = array<i32>} : memref<8224xf32, #tpu.memory_space<vmem>>, vector<16xf32>, vector<16xi1>
      %all_reduce_population_count3A_432 = tpu.all_reduce %ge3A_429 {dim = 0 : i64, kind = #tpu.reduction_kind<sum>} : vector<16xi1> -> vector<16xi32>
      %slice3A_433 = vector.extract_strided_slice %all_reduce_population_count3A_432 {offsets = [0], sizes = [1], strides = [1]} : vector<16xi32> to vector<1xi32>
      %squeeze3A_434 = vector.extract %slice3A_433[0] : i32 from vector<1xi32>
      %add3A_435 = arith.addi %add3A_428, %squeeze3A_434 : i32
      %ge3A_436 = arith.cmpf oge, %get3A_258, %scan3A_179 : vector<16xf32>
      %swap3A_437 = arith.index_cast %add3A_435 : i32 to index
      %swap3A_438 = tpu.vector_load %arg7[%swap3A_437] masked %ge3A_436 {strides = array<i32>} : memref<8224xf32, #tpu.memory_space<vmem>>, vector<16xf32>, vector<16xi1>
      tpu.vector_store %arg7[%swap3A_437], %get3A_258 masked %ge3A_436 {strides = array<i32>} : memref<8224xf32, #tpu.memory_space<vmem>>, vector<16xf32>, vector<16xi1>
      %all_reduce_population_count3A_439 = tpu.all_reduce %ge3A_436 {dim = 0 : i64, kind = #tpu.reduction_kind<sum>} : vector<16xi1> -> vector<16xi32>
      %slice3A_440 = vector.extract_strided_slice %all_reduce_population_count3A_439 {offsets = [0], sizes = [1], strides = [1]} : vector<16xi32> to vector<1xi32>
      %squeeze3A_441 = vector.extract %slice3A_440[0] : i32 from vector<1xi32>
      %add3A_442 = arith.addi %add3A_435, %squeeze3A_441 : i32
      %ge3A_443 = arith.cmpf oge, %get3A_262, %scan3A_179 : vector<16xf32>
      %swap3A_444 = arith.index_cast %add3A_442 : i32 to index
      %swap3A_445 = tpu.vector_load %arg7[%swap3A_444] masked %ge3A_443 {strides = array<i32>} : memref<8224xf32, #tpu.memory_space<vmem>>, vector<16xf32>, vector<16xi1>
      tpu.vector_store %arg7[%swap3A_444], %get3A_262 masked %ge3A_443 {strides = array<i32>} : memref<8224xf32, #tpu.memory_space<vmem>>, vector<16xf32>, vector<16xi1>
      %all_reduce_population_count3A_446 = tpu.all_reduce %ge3A_443 {dim = 0 : i64, kind = #tpu.reduction_kind<sum>} : vector<16xi1> -> vector<16xi32>
      %slice3A_447 = vector.extract_strided_slice %all_reduce_population_count3A_446 {offsets = [0], sizes = [1], strides = [1]} : vector<16xi32> to vector<1xi32>
      %squeeze3A_448 = vector.extract %slice3A_447[0] : i32 from vector<1xi32>
      %add3A_449 = arith.addi %add3A_442, %squeeze3A_448 : i32
      %ge3A_450 = arith.cmpf oge, %get3A_266, %scan3A_179 : vector<16xf32>
      %swap3A_451 = arith.index_cast %add3A_449 : i32 to index
      %swap3A_452 = tpu.vector_load %arg7[%swap3A_451] masked %ge3A_450 {strides = array<i32>} : memref<8224xf32, #tpu.memory_space<vmem>>, vector<16xf32>, vector<16xi1>
      tpu.vector_store %arg7[%swap3A_451], %get3A_266 masked %ge3A_450 {strides = array<i32>} : memref<8224xf32, #tpu.memory_space<vmem>>, vector<16xf32>, vector<16xi1>
      %all_reduce_population_count3A_453 = tpu.all_reduce %ge3A_450 {dim = 0 : i64, kind = #tpu.reduction_kind<sum>} : vector<16xi1> -> vector<16xi32>
      %slice3A_454 = vector.extract_strided_slice %all_reduce_population_count3A_453 {offsets = [0], sizes = [1], strides = [1]} : vector<16xi32> to vector<1xi32>
      %squeeze3A_455 = vector.extract %slice3A_454[0] : i32 from vector<1xi32>
      %add3A_456 = arith.addi %add3A_449, %squeeze3A_455 : i32
      %ge3A_457 = arith.cmpf oge, %get3A_270, %scan3A_179 : vector<16xf32>
      %swap3A_458 = arith.index_cast %add3A_456 : i32 to index
      %swap3A_459 = tpu.vector_load %arg7[%swap3A_458] masked %ge3A_457 {strides = array<i32>} : memref<8224xf32, #tpu.memory_space<vmem>>, vector<16xf32>, vector<16xi1>
      tpu.vector_store %arg7[%swap3A_458], %get3A_270 masked %ge3A_457 {strides = array<i32>} : memref<8224xf32, #tpu.memory_space<vmem>>, vector<16xf32>, vector<16xi1>
      %all_reduce_population_count3A_460 = tpu.all_reduce %ge3A_457 {dim = 0 : i64, kind = #tpu.reduction_kind<sum>} : vector<16xi1> -> vector<16xi32>
      %slice3A_461 = vector.extract_strided_slice %all_reduce_population_count3A_460 {offsets = [0], sizes = [1], strides = [1]} : vector<16xi32> to vector<1xi32>
      %squeeze3A_462 = vector.extract %slice3A_461[0] : i32 from vector<1xi32>
      %add3A_463 = arith.addi %add3A_456, %squeeze3A_462 : i32
      %ge3A_464 = arith.cmpf oge, %get3A_274, %scan3A_179 : vector<16xf32>
      %swap3A_465 = arith.index_cast %add3A_463 : i32 to index
      %swap3A_466 = tpu.vector_load %arg7[%swap3A_465] masked %ge3A_464 {strides = array<i32>} : memref<8224xf32, #tpu.memory_space<vmem>>, vector<16xf32>, vector<16xi1>
      tpu.vector_store %arg7[%swap3A_465], %get3A_274 masked %ge3A_464 {strides = array<i32>} : memref<8224xf32, #tpu.memory_space<vmem>>, vector<16xf32>, vector<16xi1>
      %all_reduce_population_count3A_467 = tpu.all_reduce %ge3A_464 {dim = 0 : i64, kind = #tpu.reduction_kind<sum>} : vector<16xi1> -> vector<16xi32>
      %slice3A_468 = vector.extract_strided_slice %all_reduce_population_count3A_467 {offsets = [0], sizes = [1], strides = [1]} : vector<16xi32> to vector<1xi32>
      %squeeze3A_469 = vector.extract %slice3A_468[0] : i32 from vector<1xi32>
      %add3A_470 = arith.addi %add3A_463, %squeeze3A_469 : i32
      %ge3A_471 = arith.cmpf oge, %get3A_278, %scan3A_179 : vector<16xf32>
      %swap3A_472 = arith.index_cast %add3A_470 : i32 to index
      %swap3A_473 = tpu.vector_load %arg7[%swap3A_472] masked %ge3A_471 {strides = array<i32>} : memref<8224xf32, #tpu.memory_space<vmem>>, vector<16xf32>, vector<16xi1>
      tpu.vector_store %arg7[%swap3A_472], %get3A_278 masked %ge3A_471 {strides = array<i32>} : memref<8224xf32, #tpu.memory_space<vmem>>, vector<16xf32>, vector<16xi1>
      %all_reduce_population_count3A_474 = tpu.all_reduce %ge3A_471 {dim = 0 : i64, kind = #tpu.reduction_kind<sum>} : vector<16xi1> -> vector<16xi32>
      %slice3A_475 = vector.extract_strided_slice %all_reduce_population_count3A_474 {offsets = [0], sizes = [1], strides = [1]} : vector<16xi32> to vector<1xi32>
      %squeeze3A_476 = vector.extract %slice3A_475[0] : i32 from vector<1xi32>
      %add3A_477 = arith.addi %add3A_470, %squeeze3A_476 : i32
      %ge3A_478 = arith.cmpf oge, %get3A_282, %scan3A_179 : vector<16xf32>
      %swap3A_479 = arith.index_cast %add3A_477 : i32 to index
      %swap3A_480 = tpu.vector_load %arg7[%swap3A_479] masked %ge3A_478 {strides = array<i32>} : memref<8224xf32, #tpu.memory_space<vmem>>, vector<16xf32>, vector<16xi1>
      tpu.vector_store %arg7[%swap3A_479], %get3A_282 masked %ge3A_478 {strides = array<i32>} : memref<8224xf32, #tpu.memory_space<vmem>>, vector<16xf32>, vector<16xi1>
      %all_reduce_population_count3A_481 = tpu.all_reduce %ge3A_478 {dim = 0 : i64, kind = #tpu.reduction_kind<sum>} : vector<16xi1> -> vector<16xi32>
      %slice3A_482 = vector.extract_strided_slice %all_reduce_population_count3A_481 {offsets = [0], sizes = [1], strides = [1]} : vector<16xi32> to vector<1xi32>
      %squeeze3A_483 = vector.extract %slice3A_482[0] : i32 from vector<1xi32>
      %add3A_484 = arith.addi %add3A_477, %squeeze3A_483 : i32
      %ge3A_485 = arith.cmpf oge, %get3A_286, %scan3A_179 : vector<16xf32>
      %swap3A_486 = arith.index_cast %add3A_484 : i32 to index
      %swap3A_487 = tpu.vector_load %arg7[%swap3A_486] masked %ge3A_485 {strides = array<i32>} : memref<8224xf32, #tpu.memory_space<vmem>>, vector<16xf32>, vector<16xi1>
      tpu.vector_store %arg7[%swap3A_486], %get3A_286 masked %ge3A_485 {strides = array<i32>} : memref<8224xf32, #tpu.memory_space<vmem>>, vector<16xf32>, vector<16xi1>
      %all_reduce_population_count3A_488 = tpu.all_reduce %ge3A_485 {dim = 0 : i64, kind = #tpu.reduction_kind<sum>} : vector<16xi1> -> vector<16xi32>
      %slice3A_489 = vector.extract_strided_slice %all_reduce_population_count3A_488 {offsets = [0], sizes = [1], strides = [1]} : vector<16xi32> to vector<1xi32>
      %squeeze3A_490 = vector.extract %slice3A_489[0] : i32 from vector<1xi32>
      %add3A_491 = arith.addi %add3A_484, %squeeze3A_490 : i32
      %ge3A_492 = arith.cmpf oge, %get3A_290, %scan3A_179 : vector<16xf32>
      %swap3A_493 = arith.index_cast %add3A_491 : i32 to index
      %swap3A_494 = tpu.vector_load %arg7[%swap3A_493] masked %ge3A_492 {strides = array<i32>} : memref<8224xf32, #tpu.memory_space<vmem>>, vector<16xf32>, vector<16xi1>
      tpu.vector_store %arg7[%swap3A_493], %get3A_290 masked %ge3A_492 {strides = array<i32>} : memref<8224xf32, #tpu.memory_space<vmem>>, vector<16xf32>, vector<16xi1>
      %all_reduce_population_count3A_495 = tpu.all_reduce %ge3A_492 {dim = 0 : i64, kind = #tpu.reduction_kind<sum>} : vector<16xi1> -> vector<16xi32>
      %slice3A_496 = vector.extract_strided_slice %all_reduce_population_count3A_495 {offsets = [0], sizes = [1], strides = [1]} : vector<16xi32> to vector<1xi32>
      %squeeze3A_497 = vector.extract %slice3A_496[0] : i32 from vector<1xi32>
      %add3A_498 = arith.addi %add3A_491, %squeeze3A_497 : i32
      %ge3A_499 = arith.cmpf oge, %get3A_294, %scan3A_179 : vector<16xf32>
      %swap3A_500 = arith.index_cast %add3A_498 : i32 to index
      %swap3A_501 = tpu.vector_load %arg7[%swap3A_500] masked %ge3A_499 {strides = array<i32>} : memref<8224xf32, #tpu.memory_space<vmem>>, vector<16xf32>, vector<16xi1>
      tpu.vector_store %arg7[%swap3A_500], %get3A_294 masked %ge3A_499 {strides = array<i32>} : memref<8224xf32, #tpu.memory_space<vmem>>, vector<16xf32>, vector<16xi1>
      %all_reduce_population_count3A_502 = tpu.all_reduce %ge3A_499 {dim = 0 : i64, kind = #tpu.reduction_kind<sum>} : vector<16xi1> -> vector<16xi32>
      %slice3A_503 = vector.extract_strided_slice %all_reduce_population_count3A_502 {offsets = [0], sizes = [1], strides = [1]} : vector<16xi32> to vector<1xi32>
      %squeeze3A_504 = vector.extract %slice3A_503[0] : i32 from vector<1xi32>
      %add3A_505 = arith.addi %add3A_498, %squeeze3A_504 : i32
      %ge3A_506 = arith.cmpf oge, %get3A_298, %scan3A_179 : vector<16xf32>
      %swap3A_507 = arith.index_cast %add3A_505 : i32 to index
      %swap3A_508 = tpu.vector_load %arg7[%swap3A_507] masked %ge3A_506 {strides = array<i32>} : memref<8224xf32, #tpu.memory_space<vmem>>, vector<16xf32>, vector<16xi1>
      tpu.vector_store %arg7[%swap3A_507], %get3A_298 masked %ge3A_506 {strides = array<i32>} : memref<8224xf32, #tpu.memory_space<vmem>>, vector<16xf32>, vector<16xi1>
      %all_reduce_population_count3A_509 = tpu.all_reduce %ge3A_506 {dim = 0 : i64, kind = #tpu.reduction_kind<sum>} : vector<16xi1> -> vector<16xi32>
      %slice3A_510 = vector.extract_strided_slice %all_reduce_population_count3A_509 {offsets = [0], sizes = [1], strides = [1]} : vector<16xi32> to vector<1xi32>
      %squeeze3A_511 = vector.extract %slice3A_510[0] : i32 from vector<1xi32>
      %add3A_512 = arith.addi %add3A_505, %squeeze3A_511 : i32
      %ge3A_513 = arith.cmpf oge, %get3A_302, %scan3A_179 : vector<16xf32>
      %swap3A_514 = arith.index_cast %add3A_512 : i32 to index
      %swap3A_515 = tpu.vector_load %arg7[%swap3A_514] masked %ge3A_513 {strides = array<i32>} : memref<8224xf32, #tpu.memory_space<vmem>>, vector<16xf32>, vector<16xi1>
      tpu.vector_store %arg7[%swap3A_514], %get3A_302 masked %ge3A_513 {strides = array<i32>} : memref<8224xf32, #tpu.memory_space<vmem>>, vector<16xf32>, vector<16xi1>
      %all_reduce_population_count3A_516 = tpu.all_reduce %ge3A_513 {dim = 0 : i64, kind = #tpu.reduction_kind<sum>} : vector<16xi1> -> vector<16xi32>
      %slice3A_517 = vector.extract_strided_slice %all_reduce_population_count3A_516 {offsets = [0], sizes = [1], strides = [1]} : vector<16xi32> to vector<1xi32>
      %squeeze3A_518 = vector.extract %slice3A_517[0] : i32 from vector<1xi32>
      %add3A_519 = arith.addi %add3A_512, %squeeze3A_518 : i32
      %ge3A_520 = arith.cmpf oge, %get3A_306, %scan3A_179 : vector<16xf32>
      %swap3A_521 = arith.index_cast %add3A_519 : i32 to index
      %swap3A_522 = tpu.vector_load %arg7[%swap3A_521] masked %ge3A_520 {strides = array<i32>} : memref<8224xf32, #tpu.memory_space<vmem>>, vector<16xf32>, vector<16xi1>
      tpu.vector_store %arg7[%swap3A_521], %get3A_306 masked %ge3A_520 {strides = array<i32>} : memref<8224xf32, #tpu.memory_space<vmem>>, vector<16xf32>, vector<16xi1>
      %all_reduce_population_count3A_523 = tpu.all_reduce %ge3A_520 {dim = 0 : i64, kind = #tpu.reduction_kind<sum>} : vector<16xi1> -> vector<16xi32>
      %slice3A_524 = vector.extract_strided_slice %all_reduce_population_count3A_523 {offsets = [0], sizes = [1], strides = [1]} : vector<16xi32> to vector<1xi32>
      %squeeze3A_525 = vector.extract %slice3A_524[0] : i32 from vector<1xi32>
      %add3A_526 = arith.addi %add3A_519, %squeeze3A_525 : i32
      %ge3A_527 = arith.cmpf oge, %get3A_310, %scan3A_179 : vector<16xf32>
      %swap3A_528 = arith.index_cast %add3A_526 : i32 to index
      %swap3A_529 = tpu.vector_load %arg7[%swap3A_528] masked %ge3A_527 {strides = array<i32>} : memref<8224xf32, #tpu.memory_space<vmem>>, vector<16xf32>, vector<16xi1>
      tpu.vector_store %arg7[%swap3A_528], %get3A_310 masked %ge3A_527 {strides = array<i32>} : memref<8224xf32, #tpu.memory_space<vmem>>, vector<16xf32>, vector<16xi1>
      %all_reduce_population_count3A_530 = tpu.all_reduce %ge3A_527 {dim = 0 : i64, kind = #tpu.reduction_kind<sum>} : vector<16xi1> -> vector<16xi32>
      %slice3A_531 = vector.extract_strided_slice %all_reduce_population_count3A_530 {offsets = [0], sizes = [1], strides = [1]} : vector<16xi32> to vector<1xi32>
      %squeeze3A_532 = vector.extract %slice3A_531[0] : i32 from vector<1xi32>
      %add3A_533 = arith.addi %add3A_526, %squeeze3A_532 : i32
      %while3A_534:4 = scf.while (%while3A_536 = %scan3A_172, %while3A_537 = %scan3A_173, %while3A_538 = %scan3A_176, %while3A_539 = %scan3A_174) : (vector<16xf32>, vector<16xf32>, i32, vector<16xf32>) -> (vector<16xf32>, vector<16xf32>, i32, vector<16xf32>) {
        %sub3A_540 = arith.subi %add3A_421, %while3A_538 : i32
        %ge3A_541 = arith.constant 16 : i32
        %ge3A_542 = arith.cmpi sge, %sub3A_540, %ge3A_541 : i32
        scf.condition(%ge3A_542) %while3A_536, %while3A_537, %while3A_538, %while3A_539 : vector<16xf32>, vector<16xf32>, i32, vector<16xf32>
      } do {
      ^bb0(%while3A_536: vector<16xf32>, %while3A_537: vector<16xf32>, %while3A_538: i32, %while3A_539: vector<16xf32>):
        %get3A_540 = arith.index_cast %while3A_538 : i32 to index
        %get3A_541 = tpu.vector_load %arg6[%get3A_540] {strides = array<i32>} : memref<8224xf32, #tpu.memory_space<vmem>>, vector<16xf32>,
        %sort3A = arith.constant dense<true> : vector<16xi1>
        %sort3A_542, %sort3A_543, %sort3A_544 = tpu.sort %get3A_541, %get3A_541 masked %sort3A : (vector<16xf32>, vector<16xf32>, vector<16xi1>) -> (vector<16xi1>, vector<16xf32>, vector<16xf32>)
        %rev3A = arith.constant 15 : i32
        %rev3A_545 = vector.broadcast %rev3A : i32 to vector<16xi32>
        %rev3A_546 = tpu.iota {dimensions = array<i32: 0>} : vector<16xi32>
        %rev3A_547 = arith.subi %rev3A_545, %rev3A_546 : vector<16xi32>
        %rev3A_548 = tpu.dynamic_gather %while3A_537[%rev3A_547] in [0] : vector<16xf32>, vector<16xi32> -> vector<16xf32>
        %max3A = arith.maximumf %sort3A_543, %rev3A_548 : vector<16xf32>
        %min3A = arith.minimumf %sort3A_543, %rev3A_548 : vector<16xf32>
        %sort3A_549 = arith.constant dense<true> : vector<16xi1>
        %sort3A_550, %sort3A_551, %sort3A_552 = tpu.sort %max3A, %max3A masked %sort3A_549 : (vector<16xf32>, vector<16xf32>, vector<16xi1>) -> (vector<16xi1>, vector<16xf32>, vector<16xf32>)
        %sort3A_553 = arith.constant dense<true> : vector<16xi1>
        %sort3A_554, %sort3A_555, %sort3A_556 = tpu.sort %min3A, %min3A masked %sort3A_553 : (vector<16xf32>, vector<16xf32>, vector<16xi1>) -> (vector<16xi1>, vector<16xf32>, vector<16xf32>)
        %rev3A_557 = arith.constant 15 : i32
        %rev3A_558 = vector.broadcast %rev3A_557 : i32 to vector<16xi32>
        %rev3A_559 = tpu.iota {dimensions = array<i32: 0>} : vector<16xi32>
        %rev3A_560 = arith.subi %rev3A_558, %rev3A_559 : vector<16xi32>
        %rev3A_561 = tpu.dynamic_gather %while3A_536[%rev3A_560] in [0] : vector<16xf32>, vector<16xi32> -> vector<16xf32>
        %max3A_562 = arith.maximumf %sort3A_555, %rev3A_561 : vector<16xf32>
        %sort3A_563 = arith.constant dense<true> : vector<16xi1>
        %sort3A_564, %sort3A_565, %sort3A_566 = tpu.sort %max3A_562, %max3A_562 masked %sort3A_563 : (vector<16xf32>, vector<16xf32>, vector<16xi1>) -> (vector<16xi1>, vector<16xf32>, vector<16xf32>)
        %add3A_567 = arith.constant 16 : i32
        %add3A_568 = arith.addi %while3A_538, %add3A_567 : i32
        %slice3A_569 = vector.extract_strided_slice %sort3A_565 {offsets = [0], sizes = [1], strides = [1]} : vector<16xf32> to vector<1xf32>
        %squeeze3A_570 = vector.extract %slice3A_569[0] : f32 from vector<1xf32>
        %broadcast_in_dim3A_571 = vector.broadcast %squeeze3A_570 : f32 to vector<16xf32>
        scf.yield %sort3A_565, %sort3A_551, %add3A_568, %broadcast_in_dim3A_571 : vector<16xf32>, vector<16xf32>, i32, vector<16xf32>
      }
      %while3A_535:4 = scf.while (%while3A_536 = %scan3A_177, %while3A_537 = %scan3A_178, %while3A_538 = %scan3A_181, %while3A_539 = %scan3A_179) : (vector<16xf32>, vector<16xf32>, i32, vector<16xf32>) -> (vector<16xf32>, vector<16xf32>, i32, vector<16xf32>) {
        %sub3A_540 = arith.subi %add3A_533, %while3A_538 : i32
        %ge3A_541 = arith.constant 16 : i32
        %ge3A_542 = arith.cmpi sge, %sub3A_540, %ge3A_541 : i32
        scf.condition(%ge3A_542) %while3A_536, %while3A_537, %while3A_538, %while3A_539 : vector<16xf32>, vector<16xf32>, i32, vector<16xf32>
      } do {
      ^bb0(%while3A_536: vector<16xf32>, %while3A_537: vector<16xf32>, %while3A_538: i32, %while3A_539: vector<16xf32>):
        %get3A_540 = arith.index_cast %while3A_538 : i32 to index
        %get3A_541 = tpu.vector_load %arg7[%get3A_540] {strides = array<i32>} : memref<8224xf32, #tpu.memory_space<vmem>>, vector<16xf32>,
        %sort3A = arith.constant dense<true> : vector<16xi1>
        %sort3A_542, %sort3A_543, %sort3A_544 = tpu.sort %get3A_541, %get3A_541 masked %sort3A : (vector<16xf32>, vector<16xf32>, vector<16xi1>) -> (vector<16xi1>, vector<16xf32>, vector<16xf32>)
        %rev3A = arith.constant 15 : i32
        %rev3A_545 = vector.broadcast %rev3A : i32 to vector<16xi32>
        %rev3A_546 = tpu.iota {dimensions = array<i32: 0>} : vector<16xi32>
        %rev3A_547 = arith.subi %rev3A_545, %rev3A_546 : vector<16xi32>
        %rev3A_548 = tpu.dynamic_gather %while3A_537[%rev3A_547] in [0] : vector<16xf32>, vector<16xi32> -> vector<16xf32>
        %max3A = arith.maximumf %sort3A_543, %rev3A_548 : vector<16xf32>
        %min3A = arith.minimumf %sort3A_543, %rev3A_548 : vector<16xf32>
        %sort3A_549 = arith.constant dense<true> : vector<16xi1>
        %sort3A_550, %sort3A_551, %sort3A_552 = tpu.sort %max3A, %max3A masked %sort3A_549 : (vector<16xf32>, vector<16xf32>, vector<16xi1>) -> (vector<16xi1>, vector<16xf32>, vector<16xf32>)
        %sort3A_553 = arith.constant dense<true> : vector<16xi1>
        %sort3A_554, %sort3A_555, %sort3A_556 = tpu.sort %min3A, %min3A masked %sort3A_553 : (vector<16xf32>, vector<16xf32>, vector<16xi1>) -> (vector<16xi1>, vector<16xf32>, vector<16xf32>)
        %rev3A_557 = arith.constant 15 : i32
        %rev3A_558 = vector.broadcast %rev3A_557 : i32 to vector<16xi32>
        %rev3A_559 = tpu.iota {dimensions = array<i32: 0>} : vector<16xi32>
        %rev3A_560 = arith.subi %rev3A_558, %rev3A_559 : vector<16xi32>
        %rev3A_561 = tpu.dynamic_gather %while3A_536[%rev3A_560] in [0] : vector<16xf32>, vector<16xi32> -> vector<16xf32>
        %max3A_562 = arith.maximumf %sort3A_555, %rev3A_561 : vector<16xf32>
        %sort3A_563 = arith.constant dense<true> : vector<16xi1>
        %sort3A_564, %sort3A_565, %sort3A_566 = tpu.sort %max3A_562, %max3A_562 masked %sort3A_563 : (vector<16xf32>, vector<16xf32>, vector<16xi1>) -> (vector<16xi1>, vector<16xf32>, vector<16xf32>)
        %add3A_567 = arith.constant 16 : i32
        %add3A_568 = arith.addi %while3A_538, %add3A_567 : i32
        %slice3A_569 = vector.extract_strided_slice %sort3A_565 {offsets = [0], sizes = [1], strides = [1]} : vector<16xf32> to vector<1xf32>
        %squeeze3A_570 = vector.extract %slice3A_569[0] : f32 from vector<1xf32>
        %broadcast_in_dim3A_571 = vector.broadcast %squeeze3A_570 : f32 to vector<16xf32>
        scf.yield %sort3A_565, %sort3A_551, %add3A_568, %broadcast_in_dim3A_571 : vector<16xf32>, vector<16xf32>, i32, vector<16xf32>
      }
      scf.yield %while3A_534#0, %while3A_534#1, %while3A_534#3, %add3A_421, %while3A_534#2, %while3A_535#0, %while3A_535#1, %while3A_535#3, %add3A_533, %while3A_535#2 : vector<16xf32>, vector<16xf32>, vector<16xf32>, i32, i32, vector<16xf32>, vector<16xf32>, vector<16xf32>, i32, i32
    }
    %scan3A_36 = arith.constant 32 : i32
    %swap3A = arith.index_cast %scan3A_35#3 : i32 to index
    %swap3A_37 = tpu.vector_load %arg6[%swap3A] {strides = array<i32>} : memref<8224xf32, #tpu.memory_space<vmem>>, vector<16xf32>,
    tpu.vector_store %arg6[%swap3A], %broadcast_in_dim3A_27 {strides = array<i32>} : memref<8224xf32, #tpu.memory_space<vmem>>, vector<16xf32>,
    %gt3A = arith.cmpi sgt, %scan3A_35#3, %scan3A_35#4 : i32
    %convert_element_type3A = arith.extui %gt3A : i1 to i32
    %cond3A = arith.constant 0 : i32
    %cond3A_38 = arith.cmpi ne, %convert_element_type3A, %cond3A : i32
    %cond3A_39:3 = scf.if %cond3A_38 -> (vector<16xf32>, vector<16xf32>, i32) {
      %get3A = arith.index_cast %scan3A_35#4 : i32 to index
      %get3A_171 = tpu.vector_load %arg6[%get3A] {strides = array<i32>} : memref<8224xf32, #tpu.memory_space<vmem>>, vector<16xf32>,
      %sort3A = arith.constant dense<true> : vector<16xi1>
      %sort3A_172, %sort3A_173, %sort3A_174 = tpu.sort %get3A_171, %get3A_171 masked %sort3A : (vector<16xf32>, vector<16xf32>, vector<16xi1>) -> (vector<16xi1>, vector<16xf32>, vector<16xf32>)
      %rev3A = arith.constant 15 : i32
      %rev3A_175 = vector.broadcast %rev3A : i32 to vector<16xi32>
      %rev3A_176 = tpu.iota {dimensions = array<i32: 0>} : vector<16xi32>
      %rev3A_177 = arith.subi %rev3A_175, %rev3A_176 : vector<16xi32>
      %rev3A_178 = tpu.dynamic_gather %scan3A_35#1[%rev3A_177] in [0] : vector<16xf32>, vector<16xi32> -> vector<16xf32>
      %max3A = arith.maximumf %sort3A_173, %rev3A_178 : vector<16xf32>
      %min3A = arith.minimumf %sort3A_173, %rev3A_178 : vector<16xf32>
      %sort3A_179 = arith.constant dense<true> : vector<16xi1>
      %sort3A_180, %sort3A_181, %sort3A_182 = tpu.sort %max3A, %max3A masked %sort3A_179 : (vector<16xf32>, vector<16xf32>, vector<16xi1>) -> (vector<16xi1>, vector<16xf32>, vector<16xf32>)
      %sort3A_183 = arith.constant dense<true> : vector<16xi1>
      %sort3A_184, %sort3A_185, %sort3A_186 = tpu.sort %min3A, %min3A masked %sort3A_183 : (vector<16xf32>, vector<16xf32>, vector<16xi1>) -> (vector<16xi1>, vector<16xf32>, vector<16xf32>)
      %rev3A_187 = arith.constant 15 : i32
      %rev3A_188 = vector.broadcast %rev3A_187 : i32 to vector<16xi32>
      %rev3A_189 = tpu.iota {dimensions = array<i32: 0>} : vector<16xi32>
      %rev3A_190 = arith.subi %rev3A_188, %rev3A_189 : vector<16xi32>
      %rev3A_191 = tpu.dynamic_gather %scan3A_35#0[%rev3A_190] in [0] : vector<16xf32>, vector<16xi32> -> vector<16xf32>
      %max3A_192 = arith.maximumf %sort3A_185, %rev3A_191 : vector<16xf32>
      %sort3A_193 = arith.constant dense<true> : vector<16xi1>
      %sort3A_194, %sort3A_195, %sort3A_196 = tpu.sort %max3A_192, %max3A_192 masked %sort3A_193 : (vector<16xf32>, vector<16xf32>, vector<16xi1>) -> (vector<16xi1>, vector<16xf32>, vector<16xf32>)
      %add3A_197 = arith.constant 16 : i32
      %add3A_198 = arith.addi %scan3A_35#4, %add3A_197 : i32
      %slice3A_199 = vector.extract_strided_slice %sort3A_195 {offsets = [0], sizes = [1], strides = [1]} : vector<16xf32> to vector<1xf32>
      %squeeze3A_200 = vector.extract %slice3A_199[0] : f32 from vector<1xf32>
      %broadcast_in_dim3A_201 = vector.broadcast %squeeze3A_200 : f32 to vector<16xf32>
      scf.yield %sort3A_195, %sort3A_181, %add3A_198 : vector<16xf32>, vector<16xf32>, i32
    } else {
      scf.yield %scan3A_35#0, %scan3A_35#1, %scan3A_35#4 : vector<16xf32>, vector<16xf32>, i32
    }
    %slice3A = vector.extract_strided_slice %cond3A_39#0 {offsets = [0], sizes = [1], strides = [1]} : vector<16xf32> to vector<1xf32>
    %squeeze3A = vector.extract %slice3A[0] : f32 from vector<1xf32>
    %gt3A_40 = vector.broadcast %squeeze3A : f32 to vector<16xf32>
    %gt3A_41 = arith.cmpf ogt, %cond3A_39#0, %gt3A_40 : vector<16xf32>
    %all_reduce_population_count3A = tpu.all_reduce %gt3A_41 {dim = 0 : i64, kind = #tpu.reduction_kind<sum>} : vector<16xi1> -> vector<16xi32>
    %slice3A_42 = vector.extract_strided_slice %all_reduce_population_count3A {offsets = [0], sizes = [1], strides = [1]} : vector<16xi32> to vector<1xi32>
    %squeeze3A_43 = vector.extract %slice3A_42[0] : i32 from vector<1xi32>
    %gt3A_44 = vector.broadcast %squeeze3A : f32 to vector<16xf32>
    %gt3A_45 = arith.cmpf ogt, %cond3A_39#1, %gt3A_44 : vector<16xf32>
    %all_reduce_population_count3A_46 = tpu.all_reduce %gt3A_45 {dim = 0 : i64, kind = #tpu.reduction_kind<sum>} : vector<16xi1> -> vector<16xi32>
    %slice3A_47 = vector.extract_strided_slice %all_reduce_population_count3A_46 {offsets = [0], sizes = [1], strides = [1]} : vector<16xi32> to vector<1xi32>
    %squeeze3A_48 = vector.extract %slice3A_47[0] : i32 from vector<1xi32>
    %add3A_49 = arith.addi %squeeze3A_43, %squeeze3A_48 : i32
    %swap3A_50 = arith.index_cast %scan3A_35#8 : i32 to index
    %swap3A_51 = tpu.vector_load %arg7[%swap3A_50] {strides = array<i32>} : memref<8224xf32, #tpu.memory_space<vmem>>, vector<16xf32>,
    tpu.vector_store %arg7[%swap3A_50], %broadcast_in_dim3A_27 {strides = array<i32>} : memref<8224xf32, #tpu.memory_space<vmem>>, vector<16xf32>,
    %gt3A_52 = arith.cmpi sgt, %scan3A_35#8, %scan3A_35#9 : i32
    %convert_element_type3A_53 = arith.extui %gt3A_52 : i1 to i32
    %cond3A_54 = arith.constant 0 : i32
    %cond3A_55 = arith.cmpi ne, %convert_element_type3A_53, %cond3A_54 : i32
    %cond3A_56:3 = scf.if %cond3A_55 -> (vector<16xf32>, vector<16xf32>, i32) {
      %get3A = arith.index_cast %scan3A_35#9 : i32 to index
      %get3A_171 = tpu.vector_load %arg7[%get3A] {strides = array<i32>} : memref<8224xf32, #tpu.memory_space<vmem>>, vector<16xf32>,
      %sort3A = arith.constant dense<true> : vector<16xi1>
      %sort3A_172, %sort3A_173, %sort3A_174 = tpu.sort %get3A_171, %get3A_171 masked %sort3A : (vector<16xf32>, vector<16xf32>, vector<16xi1>) -> (vector<16xi1>, vector<16xf32>, vector<16xf32>)
      %rev3A = arith.constant 15 : i32
      %rev3A_175 = vector.broadcast %rev3A : i32 to vector<16xi32>
      %rev3A_176 = tpu.iota {dimensions = array<i32: 0>} : vector<16xi32>
      %rev3A_177 = arith.subi %rev3A_175, %rev3A_176 : vector<16xi32>
      %rev3A_178 = tpu.dynamic_gather %scan3A_35#6[%rev3A_177] in [0] : vector<16xf32>, vector<16xi32> -> vector<16xf32>
      %max3A = arith.maximumf %sort3A_173, %rev3A_178 : vector<16xf32>
      %min3A = arith.minimumf %sort3A_173, %rev3A_178 : vector<16xf32>
      %sort3A_179 = arith.constant dense<true> : vector<16xi1>
      %sort3A_180, %sort3A_181, %sort3A_182 = tpu.sort %max3A, %max3A masked %sort3A_179 : (vector<16xf32>, vector<16xf32>, vector<16xi1>) -> (vector<16xi1>, vector<16xf32>, vector<16xf32>)
      %sort3A_183 = arith.constant dense<true> : vector<16xi1>
      %sort3A_184, %sort3A_185, %sort3A_186 = tpu.sort %min3A, %min3A masked %sort3A_183 : (vector<16xf32>, vector<16xf32>, vector<16xi1>) -> (vector<16xi1>, vector<16xf32>, vector<16xf32>)
      %rev3A_187 = arith.constant 15 : i32
      %rev3A_188 = vector.broadcast %rev3A_187 : i32 to vector<16xi32>
      %rev3A_189 = tpu.iota {dimensions = array<i32: 0>} : vector<16xi32>
      %rev3A_190 = arith.subi %rev3A_188, %rev3A_189 : vector<16xi32>
      %rev3A_191 = tpu.dynamic_gather %scan3A_35#5[%rev3A_190] in [0] : vector<16xf32>, vector<16xi32> -> vector<16xf32>
      %max3A_192 = arith.maximumf %sort3A_185, %rev3A_191 : vector<16xf32>
      %sort3A_193 = arith.constant dense<true> : vector<16xi1>
      %sort3A_194, %sort3A_195, %sort3A_196 = tpu.sort %max3A_192, %max3A_192 masked %sort3A_193 : (vector<16xf32>, vector<16xf32>, vector<16xi1>) -> (vector<16xi1>, vector<16xf32>, vector<16xf32>)
      %add3A_197 = arith.constant 16 : i32
      %add3A_198 = arith.addi %scan3A_35#9, %add3A_197 : i32
      %slice3A_199 = vector.extract_strided_slice %sort3A_195 {offsets = [0], sizes = [1], strides = [1]} : vector<16xf32> to vector<1xf32>
      %squeeze3A_200 = vector.extract %slice3A_199[0] : f32 from vector<1xf32>
      %broadcast_in_dim3A_201 = vector.broadcast %squeeze3A_200 : f32 to vector<16xf32>
      scf.yield %sort3A_195, %sort3A_181, %add3A_198 : vector<16xf32>, vector<16xf32>, i32
    } else {
      scf.yield %scan3A_35#5, %scan3A_35#6, %scan3A_35#9 : vector<16xf32>, vector<16xf32>, i32
    }
    %slice3A_57 = vector.extract_strided_slice %cond3A_56#0 {offsets = [0], sizes = [1], strides = [1]} : vector<16xf32> to vector<1xf32>
    %squeeze3A_58 = vector.extract %slice3A_57[0] : f32 from vector<1xf32>
    %gt3A_59 = vector.broadcast %squeeze3A_58 : f32 to vector<16xf32>
    %gt3A_60 = arith.cmpf ogt, %cond3A_56#0, %gt3A_59 : vector<16xf32>
    %all_reduce_population_count3A_61 = tpu.all_reduce %gt3A_60 {dim = 0 : i64, kind = #tpu.reduction_kind<sum>} : vector<16xi1> -> vector<16xi32>
    %slice3A_62 = vector.extract_strided_slice %all_reduce_population_count3A_61 {offsets = [0], sizes = [1], strides = [1]} : vector<16xi32> to vector<1xi32>
    %squeeze3A_63 = vector.extract %slice3A_62[0] : i32 from vector<1xi32>
    %gt3A_64 = vector.broadcast %squeeze3A_58 : f32 to vector<16xf32>
    %gt3A_65 = arith.cmpf ogt, %cond3A_56#1, %gt3A_64 : vector<16xf32>
    %all_reduce_population_count3A_66 = tpu.all_reduce %gt3A_65 {dim = 0 : i64, kind = #tpu.reduction_kind<sum>} : vector<16xi1> -> vector<16xi32>
    %slice3A_67 = vector.extract_strided_slice %all_reduce_population_count3A_66 {offsets = [0], sizes = [1], strides = [1]} : vector<16xi32> to vector<1xi32>
    %squeeze3A_68 = vector.extract %slice3A_67[0] : i32 from vector<1xi32>
    %add3A_69 = arith.addi %squeeze3A_63, %squeeze3A_68 : i32
    %add3A_70 = arith.constant 15 : i32
    %add3A_71 = arith.addi %scan3A_35#3, %add3A_70 : i32
    %jit3A = arith.constant 16 : i32
    %div3A = arith.divsi %add3A_71, %jit3A : i32
    %sign3A = arith.constant 0 : i32
    %sign3A_72 = arith.cmpi sgt, %add3A_71, %sign3A : i32
    %sign3A_73 = arith.extui %sign3A_72 : i1 to i32
    %sign3A_74 = arith.constant 0 : i32
    %sign3A_75 = arith.cmpi slt, %add3A_71, %sign3A_74 : i32
    %sign3A_76 = arith.extui %sign3A_75 : i1 to i32
    %sign3A_77 = arith.subi %sign3A_73, %sign3A_76 : i32
    %sign3A_78 = arith.constant 0 : i32
    %sign3A_79 = arith.cmpi sgt, %jit3A, %sign3A_78 : i32
    %sign3A_80 = arith.extui %sign3A_79 : i1 to i32
    %sign3A_81 = arith.constant 0 : i32
    %sign3A_82 = arith.cmpi slt, %jit3A, %sign3A_81 : i32
    %sign3A_83 = arith.extui %sign3A_82 : i1 to i32
    %sign3A_84 = arith.subi %sign3A_80, %sign3A_83 : i32
    %ne3A = arith.cmpi ne, %sign3A_77, %sign3A_84 : i32
    %rem3A = arith.remsi %add3A_71, %jit3A : i32
    %ne3A_85 = arith.constant 0 : i32
    %ne3A_86 = arith.cmpi ne, %rem3A, %ne3A_85 : i32
    %and3A = arith.andi %ne3A, %ne3A_86 : i1
    %sub3A = arith.constant 1 : i32
    %sub3A_87 = arith.subi %div3A, %sub3A : i32
    %select_n3A = arith.select %and3A, %sub3A_87, %div3A : i32
    %sub3A_88 = arith.constant 32 : i32
    %sub3A_89 = arith.subi %sub3A_88, %add3A_49 : i32
    %while3A = arith.constant 0 : i32
    %while3A_90 = arith.constant 0 : i32
    %while3A_91 = arith.constant 0 : i32
    %while3A_92 = arith.subi %select_n3A, %while3A : i32
    %while3A_93 = arith.addi %while3A, %while3A_92 : i32
    %while3A_94 = arith.constant 1 : i32
    %while3A_95 = arith.divsi %while3A_92, %while3A_94 : i32
    %while3A_96 = arith.muli %while3A_95, %while3A_94 : i32
    %while3A_97 = arith.addi %while3A, %while3A_96 : i32
    %while3A_98 = arith.constant 1 : i32
    %while3A_99:2 = scf.for %while3A_171 = %while3A to %while3A_97 step %while3A_98 iter_args(%while3A_172 = %while3A_90, %while3A_173 = %while3A_91) -> (i32, i32)  : i32 {
      %mul3A_174 = arith.constant 16 : i32
      %mul3A_175 = arith.muli %while3A_171, %mul3A_174 : i32
      %get3A = arith.index_cast %mul3A_175 : i32 to index
      %get3A_176 = tpu.vector_load %arg6[%get3A] {strides = array<i32>} : memref<8224xf32, #tpu.memory_space<vmem>>, vector<16xf32>,
      %gt3A_177 = vector.broadcast %squeeze3A : f32 to vector<16xf32>
      %gt3A_178 = arith.cmpf ogt, %get3A_176, %gt3A_177 : vector<16xf32>
      %eq3A = vector.broadcast %squeeze3A : f32 to vector<16xf32>
      %eq3A_179 = arith.cmpf oeq, %get3A_176, %eq3A : vector<16xf32>
      %convert_element_type3A_180 = arith.extui %eq3A_179 : vector<16xi1> to vector<16xi32>
      %cumsum3A = arith.constant true
      %cumsum3A_181 = vector.broadcast %cumsum3A : i1 to vector<16xi1>
      %cumsum3A_182 = tpu.scan <sum>, %convert_element_type3A_180 masked %cumsum3A_181 : vector<16xi32>, vector<16xi1> -> vector<16xi32>
      %add3A_183 = vector.broadcast %while3A_173 : i32 to vector<16xi32>
      %add3A_184 = arith.addi %add3A_183, %cumsum3A_182 : vector<16xi32>
      %le3A = vector.broadcast %sub3A_89 : i32 to vector<16xi32>
      %le3A_185 = arith.cmpi sle, %add3A_184, %le3A : vector<16xi32>
      %and3A_186 = arith.andi %eq3A_179, %le3A_185 : vector<16xi1>
      %or3A = arith.ori %gt3A_178, %and3A_186 : vector<16xi1>
      %convert_element_type3A_187 = arith.extui %or3A : vector<16xi1> to vector<16xi32>
      %cumsum3A_188 = arith.constant true
      %cumsum3A_189 = vector.broadcast %cumsum3A_188 : i1 to vector<16xi1>
      %cumsum3A_190 = tpu.scan <sum>, %convert_element_type3A_187 masked %cumsum3A_189 : vector<16xi32>, vector<16xi1> -> vector<16xi32>
      %add3A_191 = vector.broadcast %while3A_172 : i32 to vector<16xi32>
      %add3A_192 = arith.addi %add3A_191, %cumsum3A_190 : vector<16xi32>
      %sub3A_193 = arith.constant 1 : i32
      %sub3A_194 = vector.broadcast %sub3A_193 : i32 to vector<16xi32>
      %sub3A_195 = arith.subi %add3A_192, %sub3A_194 : vector<16xi32>
      %jit3A_196 = arith.constant 0 : i32
      %jit3A_197 = arith.constant 63 : i32
      %max3A = vector.broadcast %jit3A_196 : i32 to vector<16xi32>
      %max3A_198 = arith.maxsi %max3A, %sub3A_195 : vector<16xi32>
      %min3A = vector.broadcast %jit3A_197 : i32 to vector<16xi32>
      %min3A_199 = arith.minsi %min3A, %max3A_198 : vector<16xi32>
      tpu.vector_store_idx %arg8[%min3A_199], %get3A_176 masked %or3A : memref<64xf32, #tpu.memory_space<vmem>>[vector<16xi32>], vector<16xf32>, vector<16xi1>
      %all_reduce_population_count3A_200 = tpu.all_reduce %or3A {dim = 0 : i64, kind = #tpu.reduction_kind<sum>} : vector<16xi1> -> vector<16xi32>
      %slice3A_201 = vector.extract_strided_slice %all_reduce_population_count3A_200 {offsets = [0], sizes = [1], strides = [1]} : vector<16xi32> to vector<1xi32>
      %squeeze3A_202 = vector.extract %slice3A_201[0] : i32 from vector<1xi32>
      %add3A_203 = arith.addi %while3A_172, %squeeze3A_202 : i32
      %all_reduce_population_count3A_204 = tpu.all_reduce %eq3A_179 {dim = 0 : i64, kind = #tpu.reduction_kind<sum>} : vector<16xi1> -> vector<16xi32>
      %slice3A_205 = vector.extract_strided_slice %all_reduce_population_count3A_204 {offsets = [0], sizes = [1], strides = [1]} : vector<16xi32> to vector<1xi32>
      %squeeze3A_206 = vector.extract %slice3A_205[0] : i32 from vector<1xi32>
      %add3A_207 = arith.addi %while3A_173, %squeeze3A_206 : i32
      scf.yield %add3A_203, %add3A_207 : i32, i32
    }
    %while3A_100 = arith.constant 1 : i32
    %while3A_101:2 = scf.for %while3A_171 = %while3A_97 to %while3A_93 step %while3A_100 iter_args(%while3A_172 = %while3A_99#0, %while3A_173 = %while3A_99#1) -> (i32, i32)  : i32 {
      %mul3A_174 = arith.constant 16 : i32
      %mul3A_175 = arith.muli %while3A_171, %mul3A_174 : i32
      %get3A = arith.index_cast %mul3A_175 : i32 to index
      %get3A_176 = tpu.vector_load %arg6[%get3A] {strides = array<i32>} : memref<8224xf32, #tpu.memory_space<vmem>>, vector<16xf32>,
      %gt3A_177 = vector.broadcast %squeeze3A : f32 to vector<16xf32>
      %gt3A_178 = arith.cmpf ogt, %get3A_176, %gt3A_177 : vector<16xf32>
      %eq3A = vector.broadcast %squeeze3A : f32 to vector<16xf32>
      %eq3A_179 = arith.cmpf oeq, %get3A_176, %eq3A : vector<16xf32>
      %convert_element_type3A_180 = arith.extui %eq3A_179 : vector<16xi1> to vector<16xi32>
      %cumsum3A = arith.constant true
      %cumsum3A_181 = vector.broadcast %cumsum3A : i1 to vector<16xi1>
      %cumsum3A_182 = tpu.scan <sum>, %convert_element_type3A_180 masked %cumsum3A_181 : vector<16xi32>, vector<16xi1> -> vector<16xi32>
      %add3A_183 = vector.broadcast %while3A_173 : i32 to vector<16xi32>
      %add3A_184 = arith.addi %add3A_183, %cumsum3A_182 : vector<16xi32>
      %le3A = vector.broadcast %sub3A_89 : i32 to vector<16xi32>
      %le3A_185 = arith.cmpi sle, %add3A_184, %le3A : vector<16xi32>
      %and3A_186 = arith.andi %eq3A_179, %le3A_185 : vector<16xi1>
      %or3A = arith.ori %gt3A_178, %and3A_186 : vector<16xi1>
      %convert_element_type3A_187 = arith.extui %or3A : vector<16xi1> to vector<16xi32>
      %cumsum3A_188 = arith.constant true
      %cumsum3A_189 = vector.broadcast %cumsum3A_188 : i1 to vector<16xi1>
      %cumsum3A_190 = tpu.scan <sum>, %convert_element_type3A_187 masked %cumsum3A_189 : vector<16xi32>, vector<16xi1> -> vector<16xi32>
      %add3A_191 = vector.broadcast %while3A_172 : i32 to vector<16xi32>
      %add3A_192 = arith.addi %add3A_191, %cumsum3A_190 : vector<16xi32>
      %sub3A_193 = arith.constant 1 : i32
      %sub3A_194 = vector.broadcast %sub3A_193 : i32 to vector<16xi32>
      %sub3A_195 = arith.subi %add3A_192, %sub3A_194 : vector<16xi32>
      %jit3A_196 = arith.constant 0 : i32
      %jit3A_197 = arith.constant 63 : i32
      %max3A = vector.broadcast %jit3A_196 : i32 to vector<16xi32>
      %max3A_198 = arith.maxsi %max3A, %sub3A_195 : vector<16xi32>
      %min3A = vector.broadcast %jit3A_197 : i32 to vector<16xi32>
      %min3A_199 = arith.minsi %min3A, %max3A_198 : vector<16xi32>
      tpu.vector_store_idx %arg8[%min3A_199], %get3A_176 masked %or3A : memref<64xf32, #tpu.memory_space<vmem>>[vector<16xi32>], vector<16xf32>, vector<16xi1>
      %all_reduce_population_count3A_200 = tpu.all_reduce %or3A {dim = 0 : i64, kind = #tpu.reduction_kind<sum>} : vector<16xi1> -> vector<16xi32>
      %slice3A_201 = vector.extract_strided_slice %all_reduce_population_count3A_200 {offsets = [0], sizes = [1], strides = [1]} : vector<16xi32> to vector<1xi32>
      %squeeze3A_202 = vector.extract %slice3A_201[0] : i32 from vector<1xi32>
      %add3A_203 = arith.addi %while3A_172, %squeeze3A_202 : i32
      %all_reduce_population_count3A_204 = tpu.all_reduce %eq3A_179 {dim = 0 : i64, kind = #tpu.reduction_kind<sum>} : vector<16xi1> -> vector<16xi32>
      %slice3A_205 = vector.extract_strided_slice %all_reduce_population_count3A_204 {offsets = [0], sizes = [1], strides = [1]} : vector<16xi32> to vector<1xi32>
      %squeeze3A_206 = vector.extract %slice3A_205[0] : i32 from vector<1xi32>
      %add3A_207 = arith.addi %while3A_173, %squeeze3A_206 : i32
      scf.yield %add3A_203, %add3A_207 : i32, i32
    }
    %mul3A_102 = arith.constant 32 : i32
    %mul3A_103 = arith.muli %mul3A_2, %mul3A_102 : i32
    %dma_start3A_104 = arith.constant 0 : i32
    %dma_start3A_105 = tpu.memref_slice %arg8[%dma_start3A_104] : memref<64xf32, #tpu.memory_space<vmem>> -> memref<32xf32, #tpu.memory_space<vmem>>
    %dma_start3A_106 = tpu.memref_slice %arg3[%mul3A_103] : memref<2048xf32, #tpu.memory_space<hbm>> -> memref<32xf32, #tpu.memory_space<hbm>>
    %dma_start3A_107 = tpu.memref_slice %arg3[%mul3A_103] : memref<2048xf32, #tpu.memory_space<hbm>> -> memref<32xf32, #tpu.memory_space<hbm>>
    %dma_start3A_108 = arith.constant 0 : i32
    %dma_start3A_109 = tpu.memref_slice %arg8[%dma_start3A_108] : memref<64xf32, #tpu.memory_space<vmem>> -> memref<32xf32, #tpu.memory_space<vmem>>
    tpu.enqueue_dma source(%dma_start3A_109 : memref<32xf32, #tpu.memory_space<vmem>>) target(%dma_start3A_107 : memref<32xf32, #tpu.memory_space<hbm>>) target_semaphore(%arg12 : memref<!tpu.dma_semaphore, #tpu.memory_space<semaphore_mem>>)
    %add3A_110 = arith.constant 15 : i32
    %add3A_111 = arith.addi %scan3A_35#8, %add3A_110 : i32
    %jit3A_112 = arith.constant 16 : i32
    %div3A_113 = arith.divsi %add3A_111, %jit3A_112 : i32
    %sign3A_114 = arith.constant 0 : i32
    %sign3A_115 = arith.cmpi sgt, %add3A_111, %sign3A_114 : i32
    %sign3A_116 = arith.extui %sign3A_115 : i1 to i32
    %sign3A_117 = arith.constant 0 : i32
    %sign3A_118 = arith.cmpi slt, %add3A_111, %sign3A_117 : i32
    %sign3A_119 = arith.extui %sign3A_118 : i1 to i32
    %sign3A_120 = arith.subi %sign3A_116, %sign3A_119 : i32
    %sign3A_121 = arith.constant 0 : i32
    %sign3A_122 = arith.cmpi sgt, %jit3A_112, %sign3A_121 : i32
    %sign3A_123 = arith.extui %sign3A_122 : i1 to i32
    %sign3A_124 = arith.constant 0 : i32
    %sign3A_125 = arith.cmpi slt, %jit3A_112, %sign3A_124 : i32
    %sign3A_126 = arith.extui %sign3A_125 : i1 to i32
    %sign3A_127 = arith.subi %sign3A_123, %sign3A_126 : i32
    %ne3A_128 = arith.cmpi ne, %sign3A_120, %sign3A_127 : i32
    %rem3A_129 = arith.remsi %add3A_111, %jit3A_112 : i32
    %ne3A_130 = arith.constant 0 : i32
    %ne3A_131 = arith.cmpi ne, %rem3A_129, %ne3A_130 : i32
    %and3A_132 = arith.andi %ne3A_128, %ne3A_131 : i1
    %sub3A_133 = arith.constant 1 : i32
    %sub3A_134 = arith.subi %div3A_113, %sub3A_133 : i32
    %select_n3A_135 = arith.select %and3A_132, %sub3A_134, %div3A_113 : i32
    %sub3A_136 = arith.constant 32 : i32
    %sub3A_137 = arith.subi %sub3A_136, %add3A_69 : i32
    %while3A_138 = arith.constant 0 : i32
    %while3A_139 = arith.constant 0 : i32
    %while3A_140 = arith.constant 0 : i32
    %while3A_141 = arith.subi %select_n3A_135, %while3A_138 : i32
    %while3A_142 = arith.addi %while3A_138, %while3A_141 : i32
    %while3A_143 = arith.constant 1 : i32
    %while3A_144 = arith.divsi %while3A_141, %while3A_143 : i32
    %while3A_145 = arith.muli %while3A_144, %while3A_143 : i32
    %while3A_146 = arith.addi %while3A_138, %while3A_145 : i32
    %while3A_147 = arith.constant 1 : i32
    %while3A_148:2 = scf.for %while3A_171 = %while3A_138 to %while3A_146 step %while3A_147 iter_args(%while3A_172 = %while3A_139, %while3A_173 = %while3A_140) -> (i32, i32)  : i32 {
      %mul3A_174 = arith.constant 16 : i32
      %mul3A_175 = arith.muli %while3A_171, %mul3A_174 : i32
      %get3A = arith.index_cast %mul3A_175 : i32 to index
      %get3A_176 = tpu.vector_load %arg7[%get3A] {strides = array<i32>} : memref<8224xf32, #tpu.memory_space<vmem>>, vector<16xf32>,
      %gt3A_177 = vector.broadcast %squeeze3A_58 : f32 to vector<16xf32>
      %gt3A_178 = arith.cmpf ogt, %get3A_176, %gt3A_177 : vector<16xf32>
      %eq3A = vector.broadcast %squeeze3A_58 : f32 to vector<16xf32>
      %eq3A_179 = arith.cmpf oeq, %get3A_176, %eq3A : vector<16xf32>
      %convert_element_type3A_180 = arith.extui %eq3A_179 : vector<16xi1> to vector<16xi32>
      %cumsum3A = arith.constant true
      %cumsum3A_181 = vector.broadcast %cumsum3A : i1 to vector<16xi1>
      %cumsum3A_182 = tpu.scan <sum>, %convert_element_type3A_180 masked %cumsum3A_181 : vector<16xi32>, vector<16xi1> -> vector<16xi32>
      %add3A_183 = vector.broadcast %while3A_173 : i32 to vector<16xi32>
      %add3A_184 = arith.addi %add3A_183, %cumsum3A_182 : vector<16xi32>
      %le3A = vector.broadcast %sub3A_137 : i32 to vector<16xi32>
      %le3A_185 = arith.cmpi sle, %add3A_184, %le3A : vector<16xi32>
      %and3A_186 = arith.andi %eq3A_179, %le3A_185 : vector<16xi1>
      %or3A = arith.ori %gt3A_178, %and3A_186 : vector<16xi1>
      %convert_element_type3A_187 = arith.extui %or3A : vector<16xi1> to vector<16xi32>
      %cumsum3A_188 = arith.constant true
      %cumsum3A_189 = vector.broadcast %cumsum3A_188 : i1 to vector<16xi1>
      %cumsum3A_190 = tpu.scan <sum>, %convert_element_type3A_187 masked %cumsum3A_189 : vector<16xi32>, vector<16xi1> -> vector<16xi32>
      %add3A_191 = vector.broadcast %while3A_172 : i32 to vector<16xi32>
      %add3A_192 = arith.addi %add3A_191, %cumsum3A_190 : vector<16xi32>
      %sub3A_193 = arith.constant 1 : i32
      %sub3A_194 = vector.broadcast %sub3A_193 : i32 to vector<16xi32>
      %sub3A_195 = arith.subi %add3A_192, %sub3A_194 : vector<16xi32>
      %jit3A_196 = arith.constant 0 : i32
      %jit3A_197 = arith.constant 63 : i32
      %max3A = vector.broadcast %jit3A_196 : i32 to vector<16xi32>
      %max3A_198 = arith.maxsi %max3A, %sub3A_195 : vector<16xi32>
      %min3A = vector.broadcast %jit3A_197 : i32 to vector<16xi32>
      %min3A_199 = arith.minsi %min3A, %max3A_198 : vector<16xi32>
      tpu.vector_store_idx %arg9[%min3A_199], %get3A_176 masked %or3A : memref<64xf32, #tpu.memory_space<vmem>>[vector<16xi32>], vector<16xf32>, vector<16xi1>
      %all_reduce_population_count3A_200 = tpu.all_reduce %or3A {dim = 0 : i64, kind = #tpu.reduction_kind<sum>} : vector<16xi1> -> vector<16xi32>
      %slice3A_201 = vector.extract_strided_slice %all_reduce_population_count3A_200 {offsets = [0], sizes = [1], strides = [1]} : vector<16xi32> to vector<1xi32>
      %squeeze3A_202 = vector.extract %slice3A_201[0] : i32 from vector<1xi32>
      %add3A_203 = arith.addi %while3A_172, %squeeze3A_202 : i32
      %all_reduce_population_count3A_204 = tpu.all_reduce %eq3A_179 {dim = 0 : i64, kind = #tpu.reduction_kind<sum>} : vector<16xi1> -> vector<16xi32>
      %slice3A_205 = vector.extract_strided_slice %all_reduce_population_count3A_204 {offsets = [0], sizes = [1], strides = [1]} : vector<16xi32> to vector<1xi32>
      %squeeze3A_206 = vector.extract %slice3A_205[0] : i32 from vector<1xi32>
      %add3A_207 = arith.addi %while3A_173, %squeeze3A_206 : i32
      scf.yield %add3A_203, %add3A_207 : i32, i32
    }
    %while3A_149 = arith.constant 1 : i32
    %while3A_150:2 = scf.for %while3A_171 = %while3A_146 to %while3A_142 step %while3A_149 iter_args(%while3A_172 = %while3A_148#0, %while3A_173 = %while3A_148#1) -> (i32, i32)  : i32 {
      %mul3A_174 = arith.constant 16 : i32
      %mul3A_175 = arith.muli %while3A_171, %mul3A_174 : i32
      %get3A = arith.index_cast %mul3A_175 : i32 to index
      %get3A_176 = tpu.vector_load %arg7[%get3A] {strides = array<i32>} : memref<8224xf32, #tpu.memory_space<vmem>>, vector<16xf32>,
      %gt3A_177 = vector.broadcast %squeeze3A_58 : f32 to vector<16xf32>
      %gt3A_178 = arith.cmpf ogt, %get3A_176, %gt3A_177 : vector<16xf32>
      %eq3A = vector.broadcast %squeeze3A_58 : f32 to vector<16xf32>
      %eq3A_179 = arith.cmpf oeq, %get3A_176, %eq3A : vector<16xf32>
      %convert_element_type3A_180 = arith.extui %eq3A_179 : vector<16xi1> to vector<16xi32>
      %cumsum3A = arith.constant true
      %cumsum3A_181 = vector.broadcast %cumsum3A : i1 to vector<16xi1>
      %cumsum3A_182 = tpu.scan <sum>, %convert_element_type3A_180 masked %cumsum3A_181 : vector<16xi32>, vector<16xi1> -> vector<16xi32>
      %add3A_183 = vector.broadcast %while3A_173 : i32 to vector<16xi32>
      %add3A_184 = arith.addi %add3A_183, %cumsum3A_182 : vector<16xi32>
      %le3A = vector.broadcast %sub3A_137 : i32 to vector<16xi32>
      %le3A_185 = arith.cmpi sle, %add3A_184, %le3A : vector<16xi32>
      %and3A_186 = arith.andi %eq3A_179, %le3A_185 : vector<16xi1>
      %or3A = arith.ori %gt3A_178, %and3A_186 : vector<16xi1>
      %convert_element_type3A_187 = arith.extui %or3A : vector<16xi1> to vector<16xi32>
      %cumsum3A_188 = arith.constant true
      %cumsum3A_189 = vector.broadcast %cumsum3A_188 : i1 to vector<16xi1>
      %cumsum3A_190 = tpu.scan <sum>, %convert_element_type3A_187 masked %cumsum3A_189 : vector<16xi32>, vector<16xi1> -> vector<16xi32>
      %add3A_191 = vector.broadcast %while3A_172 : i32 to vector<16xi32>
      %add3A_192 = arith.addi %add3A_191, %cumsum3A_190 : vector<16xi32>
      %sub3A_193 = arith.constant 1 : i32
      %sub3A_194 = vector.broadcast %sub3A_193 : i32 to vector<16xi32>
      %sub3A_195 = arith.subi %add3A_192, %sub3A_194 : vector<16xi32>
      %jit3A_196 = arith.constant 0 : i32
      %jit3A_197 = arith.constant 63 : i32
      %max3A = vector.broadcast %jit3A_196 : i32 to vector<16xi32>
      %max3A_198 = arith.maxsi %max3A, %sub3A_195 : vector<16xi32>
      %min3A = vector.broadcast %jit3A_197 : i32 to vector<16xi32>
      %min3A_199 = arith.minsi %min3A, %max3A_198 : vector<16xi32>
      tpu.vector_store_idx %arg9[%min3A_199], %get3A_176 masked %or3A : memref<64xf32, #tpu.memory_space<vmem>>[vector<16xi32>], vector<16xf32>, vector<16xi1>
      %all_reduce_population_count3A_200 = tpu.all_reduce %or3A {dim = 0 : i64, kind = #tpu.reduction_kind<sum>} : vector<16xi1> -> vector<16xi32>
      %slice3A_201 = vector.extract_strided_slice %all_reduce_population_count3A_200 {offsets = [0], sizes = [1], strides = [1]} : vector<16xi32> to vector<1xi32>
      %squeeze3A_202 = vector.extract %slice3A_201[0] : i32 from vector<1xi32>
      %add3A_203 = arith.addi %while3A_172, %squeeze3A_202 : i32
      %all_reduce_population_count3A_204 = tpu.all_reduce %eq3A_179 {dim = 0 : i64, kind = #tpu.reduction_kind<sum>} : vector<16xi1> -> vector<16xi32>
      %slice3A_205 = vector.extract_strided_slice %all_reduce_population_count3A_204 {offsets = [0], sizes = [1], strides = [1]} : vector<16xi32> to vector<1xi32>
      %squeeze3A_206 = vector.extract %slice3A_205[0] : i32 from vector<1xi32>
      %add3A_207 = arith.addi %while3A_173, %squeeze3A_206 : i32
      scf.yield %add3A_203, %add3A_207 : i32, i32
    }
    %mul3A_151 = arith.constant 32 : i32
    %mul3A_152 = arith.muli %add3A_4, %mul3A_151 : i32
    %dma_start3A_153 = arith.constant 0 : i32
    %dma_start3A_154 = tpu.memref_slice %arg9[%dma_start3A_153] : memref<64xf32, #tpu.memory_space<vmem>> -> memref<32xf32, #tpu.memory_space<vmem>>
    %dma_start3A_155 = tpu.memref_slice %arg3[%mul3A_152] : memref<2048xf32, #tpu.memory_space<hbm>> -> memref<32xf32, #tpu.memory_space<hbm>>
    %dma_start3A_156 = tpu.memref_slice %arg3[%mul3A_152] : memref<2048xf32, #tpu.memory_space<hbm>> -> memref<32xf32, #tpu.memory_space<hbm>>
    %dma_start3A_157 = arith.constant 0 : i32
    %dma_start3A_158 = tpu.memref_slice %arg9[%dma_start3A_157] : memref<64xf32, #tpu.memory_space<vmem>> -> memref<32xf32, #tpu.memory_space<vmem>>
    tpu.enqueue_dma source(%dma_start3A_158 : memref<32xf32, #tpu.memory_space<vmem>>) target(%dma_start3A_156 : memref<32xf32, #tpu.memory_space<hbm>>) target_semaphore(%arg13 : memref<!tpu.dma_semaphore, #tpu.memory_space<semaphore_mem>>)
    %dma_wait3A_159 = arith.constant 0 : i32
    %dma_wait3A_160 = tpu.memref_slice %arg8[%dma_wait3A_159] : memref<64xf32, #tpu.memory_space<vmem>> -> memref<32xf32, #tpu.memory_space<vmem>>
    %dma_wait3A_161 = tpu.memref_slice %arg3[%mul3A_103] : memref<2048xf32, #tpu.memory_space<hbm>> -> memref<32xf32, #tpu.memory_space<hbm>>
    %dma_wait3A_162 = tpu.memref_slice %arg3[%mul3A_103] : memref<2048xf32, #tpu.memory_space<hbm>> -> memref<32xf32, #tpu.memory_space<hbm>>
    %dma_wait3A_163 = arith.constant 0 : i32
    %dma_wait3A_164 = tpu.memref_slice %arg8[%dma_wait3A_163] : memref<64xf32, #tpu.memory_space<vmem>> -> memref<32xf32, #tpu.memory_space<vmem>>
    tpu.wait_dma2 semaphore(%arg12 : memref<!tpu.dma_semaphore, #tpu.memory_space<semaphore_mem>>) src(%dma_wait3A_164 : memref<32xf32, #tpu.memory_space<vmem>>) dst(%dma_wait3A_162 : memref<32xf32, #tpu.memory_space<hbm>>)
    %dma_wait3A_165 = arith.constant 0 : i32
    %dma_wait3A_166 = tpu.memref_slice %arg9[%dma_wait3A_165] : memref<64xf32, #tpu.memory_space<vmem>> -> memref<32xf32, #tpu.memory_space<vmem>>
    %dma_wait3A_167 = tpu.memref_slice %arg3[%mul3A_152] : memref<2048xf32, #tpu.memory_space<hbm>> -> memref<32xf32, #tpu.memory_space<hbm>>
    %dma_wait3A_168 = tpu.memref_slice %arg3[%mul3A_152] : memref<2048xf32, #tpu.memory_space<hbm>> -> memref<32xf32, #tpu.memory_space<hbm>>
    %dma_wait3A_169 = arith.constant 0 : i32
    %dma_wait3A_170 = tpu.memref_slice %arg9[%dma_wait3A_169] : memref<64xf32, #tpu.memory_space<vmem>> -> memref<32xf32, #tpu.memory_space<vmem>>
    tpu.wait_dma2 semaphore(%arg13 : memref<!tpu.dma_semaphore, #tpu.memory_space<semaphore_mem>>) src(%dma_wait3A_170 : memref<32xf32, #tpu.memory_space<vmem>>) dst(%dma_wait3A_168 : memref<32xf32, #tpu.memory_space<hbm>>)
    return
  }
}

</mosaic_0001>

<sc_bundles>
// kernel: kernel.3.cloned.1.call-start
scs
__scs_entry_jumppad:
0x0: {  	(pc) =	sbr.rel $0x88, $3  }
0x1: {  	(tag) =	ssettag $0x0;
	lr =	simm.s32 $0x1  }
0x2: {  	[smem:$0x3FA0] =	sst lr;
	_ =	strace $0xD0000000  }
0x3: {  	_ = 	snop  }
0x4: {  	_ = 	snop  }
0x5: {  	_ = 	snop  }
0x6: {  	_ = 	snop  }
0x7: {  	_ = 	snop  }
__scs_overlays_trampoline_lowered:
0x8: {  	[smem:$0x3FAF] =	sst s0  }
0x9: {  	[smem:$0x3FB0] =	sst s1  }
0xa: {  	[smem:$0x3FB1] =	sst s2  }
0xb: {  	[smem:$0x3FB2] =	sst s3  }
0xc: {  	[smem:$0x3FB3] =	sst s4  }
0xd: {  	[smem:$0x3FB4] =	sst s5  }
0xe: {  	[smem:$0x3FB5] =	sst s6  }
0xf: {  	[smem:$0x3FB6] =	sst s7  }
0x10: {  	[smem:$0x3FB7] =	sst s8  }
0x11: {  	[smem:$0x3FB8] =	sst s9;
	s0 =	simm.s32 @!p0 $0x0  }
0x12: {  	s1 =	sld [smem:$0x3F9E];
	s0 =	simm.s32 @p0 $0x1  }
0x13: {  	[smem:$0x3FB9] =	sst s0;
	s0 =	simm.s32 @!p1 $0x0  }
0x14: {  	s2 =	sld [smem:$0x3F9D];
	s0 =	simm.s32 @p1 $0x1  }
0x15: {  	[smem:$0x3FBA] =	sst s0;
	s0 =	simm.s32 @!p2 $0x0  }
0x16: {  	s3 =	sld [smem:$0x3FDB];
	s0 =	simm.s32 @p2 $0x1  }
0x17: {  	s4 =	simm.s32 $0x1BF5;
	[smem:$0x3FBC] =	sst s0  }
0x18: {  	s0 =	sld [smem:$0x3F9F];
	_ =	swait.ge [sflag:s4], $0x0  }
0x19: {  	s7 =	sld [smem:$0x3FA0]  }
0x1a: {  	s8 =	sadd.s32 $0xFFFFE003, lr  }
0x1b: {  	s9 =	sadd.s32 $0xFFFFFEF7, lr;
	s5 =	simm.s32 $0xFFFFFFFF;
	p2 =	slt.u32 s8, $0xFFFFF086  }
0x1c: {  	p1 =	slt.u32 s9, $0xF7A;
	s5 =	simm.s32 @!p2 $0x0  }
0x1d: {  	s5 =	simm.s32 @p1 $0x1;
	p0 =	seq.s32 s7, s2  }
0x1e: {  	s7 =	smul.u32 @!p0 $0xF7A, s2;
	p2 =	seq.s32 @!p0 s5, $0x0  }
0x1f: {  	s9 =	smul.u32 $0xF7A, s1;
	s8 =	simm.s32 @!p0 $0x1BF5;
	p2 =	por !p2, p0  }
0x20: {  	[sflag:s8] =	ssyncset.s32 @!p0 $0xFFFFF086;
	s6 =	sadd.s32 @!p0 s3, s7;
	s7 =	simm.s32 @!p0 $0x108  }
0x21: {  	s3 =	sadd.s32 s3, s9;
	s6 =	sadd.s32 @!p0 $0x88, s6;
	s7 =	simm.s32 @p2 $0x1082  }
0x22: {  	[simem:s7], [sflag:s8] =	dma.local @!p0 [hbm:s6], $0xF7A  }
0x23: {  	s9 =	sor.u32 $0xD0000000, s2;
	s6 =	simm.s32 $0x108;
	_ =	swait.ge @!p0 [sflag:s8], $0x0  }
0x24: {  	s3 =	sadd.s32 $0x88, s3;
	s6 =	simm.s32 @!p1 $0x1082;
	[sflag:s4] =	ssyncset.s32 $0xFFFFF086  }
0x25: {  	[simem:s6], [sflag:s4] =	dma.local [hbm:s3], $0xF7A  }
0x26: {  	[smem:$0x3FA0] =	sst s1;
	(tag) =	ssettag s2;
	_ =	strace s9  }
0x27: {  	s1 =	sld [smem:$0x3FB0]  }
0x28: {  	s2 =	sld [smem:$0x3FB1]  }
0x29: {  	s4 =	sld [smem:$0x3FB3]  }
0x2a: {  	p0 =	seq.s32 s5, $0x0;
	s5 =	sld [smem:$0x3FB4]  }
0x2b: {  	s6 =	sld [smem:$0x3FB5]  }
0x2c: {  	s7 =	sld [smem:$0x3FB6]  }
0x2d: {  	s3 =	simm.s32 $0x108;
	s8 =	sld [smem:$0x3FB7]  }
0x2e: {  	s3 =	simm.s32 @!p0 $0x1082;
	s9 =	sld [smem:$0x3FB8]  }
0x2f: {  	lr =	sadd.s32 s0, s3;
	s0 =	sld [smem:$0x3FAF]  }
0x30: {  	s3 =	sld [smem:$0x3FB2]  }
0x31: {  	[smem:$0x3FBB] =	sst s10  }
0x32: {  	s10 =	sld [smem:$0x3FB9];
	_ =	sdelay $0x3  }
0x33: {  	p0 =	seq.s32 s10, $0x1;
	s10 =	sld [smem:$0x3FBB];
	_ =	sdelay $0x3  }
0x34: {  	[smem:$0x3FBB] =	sst s10  }
0x35: {  	s10 =	sld [smem:$0x3FBA];
	_ =	sdelay $0x3  }
0x36: {  	p1 =	seq.s32 s10, $0x1;
	s10 =	sld [smem:$0x3FBB];
	_ =	sdelay $0x3  }
0x37: {  	[smem:$0x3FBB] =	sst s10  }
0x38: {  	s10 =	sld [smem:$0x3FBC]  }
0x39: {  	_ = 	snop;
	(pc) =	sbr.ind lr, $3  }
0x3a: {  	_ = 	snop  }
0x3b: {  	_ = 	snop  }
0x3c: {  	p2 =	seq.s32 s10, $0x1;
	s10 =	sld [smem:$0x3FBB]  }
0x3d: {  	_ =	shalt  }
0x3e: {  	_ =	shalt  }
0x3f: {  	_ =	shalt  }
0x40: {  	_ =	shalt  }
0x41: {  	_ =	shalt  }
0x42: {  	_ =	shalt  }
0x43: {  	_ =	shalt  }
0x44: {  	_ =	shalt  }
0x45: {  	_ =	shalt  }
0x46: {  	_ =	shalt  }
0x47: {  	_ =	shalt  }
0x48: {  	_ =	shalt  }
0x49: {  	_ =	shalt  }
0x4a: {  	_ =	shalt  }
0x4b: {  	_ =	shalt  }
0x4c: {  	_ =	shalt  }
0x4d: {  	_ =	shalt  }
0x4e: {  	_ =	shalt  }
0x4f: {  	_ =	shalt  }
0x50: {  	_ =	shalt  }
0x51: {  	_ =	shalt  }
0x52: {  	_ =	shalt  }
0x53: {  	_ =	shalt  }
0x54: {  	_ =	shalt  }
0x55: {  	_ =	shalt  }
0x56: {  	_ =	shalt  }
0x57: {  	_ =	shalt  }
0x58: {  	_ =	shalt  }
0x59: {  	_ =	shalt  }
0x5a: {  	_ =	shalt  }
0x5b: {  	_ =	shalt  }
0x5c: {  	_ =	shalt  }
0x5d: {  	_ =	shalt  }
0x5e: {  	_ =	shalt  }
0x5f: {  	_ =	shalt  }
0x60: {  	_ =	shalt  }
0x61: {  	_ =	shalt  }
0x62: {  	_ =	shalt  }
0x63: {  	_ =	shalt  }
0x64: {  	_ =	shalt  }
0x65: {  	_ =	shalt  }
0x66: {  	_ =	shalt  }
0x67: {  	_ =	shalt  }
0x68: {  	_ =	shalt  }
0x69: {  	_ =	shalt  }
0x6a: {  	_ =	shalt  }
0x6b: {  	_ =	shalt  }
0x6c: {  	_ =	shalt  }
0x6d: {  	_ =	shalt  }
0x6e: {  	_ =	shalt  }
0x6f: {  	_ =	shalt  }
0x70: {  	_ =	shalt  }
0x71: {  	_ =	shalt  }
0x72: {  	_ =	shalt  }
0x73: {  	_ =	shalt  }
0x74: {  	_ =	shalt  }
0x75: {  	_ =	shalt  }
0x76: {  	_ =	shalt  }
0x77: {  	_ =	shalt  }
0x78: {  	_ =	shalt  }
0x79: {  	_ =	shalt  }
0x7a: {  	_ =	shalt  }
0x7b: {  	_ =	shalt  }
0x7c: {  	_ =	shalt  }
0x7d: {  	_ =	shalt  }
0x7e: {  	_ =	shalt  }
0x7f: {  	_ =	shalt  }
0x80: {  	_ =	shalt  }
0x81: {  	_ =	shalt  }
0x82: {  	_ =	shalt  }
0x83: {  	_ =	shalt  }
0x84: {  	_ =	shalt  }
0x85: {  	_ =	shalt  }
0x86: {  	_ =	shalt  }
0x87: {  	_ =	shalt  }
.Lfunc_end0:
.L_simem_size_0:
called_computation_lowered:
.L_overlay_start_0:
0x88: {  	s2 =	sld [smem:$0x3FD9]  }
0x89: {  	s3 =	sld [smem:$0x3FFE];
	_ =	sdelay $0x1  }
0x8a: {  	s1 =	srdreg.scid  }
0x8b: {  	s0 =	sand.u32 $0x1, s1  }
0x8c: {  	s18 =	sshll.u32 s0, $0xA;
	s2 =	sadd.s32 s3, s2  }
0x8d: {  	s2 =	sadd.s32 s2, s18  }
0x8e: {  	[smem:$0x3FC7] =	sst s2  }
0x8f: {  	_ = 	snop  }
0x90: {  	s2 =	sld [smem:$0x3FC9]  }
0x91: {  	s19 =	sld [smem:$0x3FD0];
	(tm) =	ssettm $0x1  }
0x92: {  	s4 =	sld [smem:$0x3FFB];
	_ =	sdelay $0x3  }
0x93: {  	_ =	strace s4  }
0x94: {  	s4 =	sld [smem:$0x3FFC];
	_ =	sdelay $0x3  }
0x95: {  	_ =	strace s4  }
0x96: {  	s4 =	sld [smem:$0x3FFD];
	_ =	sdelay $0x3  }
0x97: {  	_ =	strace s4  }
0x98: {  	_ =	strace $0x8FFFFFFF  }
0x99: {  	s20 =	sld [smem:$0x3FDB];
	_ =	sdelay $0x1  }
0x9a: {  	s5 =	simm.s32 $_scs_section_size  }
0x9b: {  	s6 =	simm.s32 $_size__tile_overlayer_lowered;
	s7 =	simm.s32 $_tile_overlayer_lowered  }
0x9c: {  	s23 =	simm.s32 $0x1BFF;
	s22 =	sshll.u32 s7, $0x1;
	s4 =	sadd.s32 s5, s20  }
0x9d: {  	s8 =	simm.s32 $0x0;
	s21 =	sshll.u32 s6, $0x1;
	s6 =	sadd.s32 s22, s4  }
0x9e: {  	[timem:s8], [sflag:s23] =	dma.local [hbm:s6], s21  }
0x9f: {  	_ =	swait.ge [sflag:s23], s21  }
0xa0: {  	s5 =	ssub.s32 $0x0, s21;
	[sflag:s23] =	ssyncset.done $0x0  }
0xa1: {  	[sflag:s23] =	ssyncadd.s32 s5;
	_ =	sdelay $0x1  }
0xa2: {  	s24 =	simm.s32 $0x1B8B  }
0xa3: {  	_ =	swait.ge [sflag:s24], $0x1  }
0xa4: {  	[sflag:s24] =	ssyncset.done $0x0  }
0xa5: {  	s25 =	simm.s32 $0x1B8E;
	[sflag:s24] =	ssyncadd.s32 $0xFFFFFFFF  }
0xa6: {  	s26 =	simm.s32 $execute0_lowered;
	[smem:$0x3FD2] =	sst s25  }
0xa7: {  	s5 =	sshll.u32 s26, $0x1;
	_ =	strace $0x80000046;
	[dreg:$0x1] =	wrdreg $0xFFFFFFFF  }
0xa8: {  	s28 =	simm.s32 $_size_execute0_lowered;
	s4 =	sadd.s32 s4, s5;
	[dreg:$0x0] =	wrdreg $0x0  }
0xa9: {  	s5 =	sshll.u32 s28, $0x1;
	[dreg:$0x2] =	wrdreg s4  }
0xaa: {  	[dreg:$0x3] =	wrdreg s5  }
0xab: {  	[dreg:$0x4] =	wrdreg $0xC0  }
0xac: {  	_ =	task [dreg:s8], $0x5FFFF  }
0xad: {  	[dreg:$0x1] =	wrdreg $0xFFFFFFFF  }
0xae: {  	[dreg:$0x0] =	wrdreg $0x60  }
0xaf: {  	[dreg:$0x2] =	wrdreg s2  }
0xb0: {  	[dreg:$0x3] =	wrdreg s19  }
0xb1: {  	[dreg:$0x4] =	wrdreg $0x9  }
0xb2: {  	_ =	task.clear_ibuf [dreg:s8], $0x5FFFF;
	_ =	strace $0x90000046  }
0xb3: {  	s29 =	simm.s32 $0x9;
	_ =	strace $0x80000048  }
0xb4: {  	_ =	swait.ge [sflag:s29], $0x1  }
0xb5: {  	[sflag:s29] =	ssyncadd.s32 $0xFFFFFFFF  }
0xb6: {  	_ =	strace $0x90000048  }
0xb7: {  	_ =	sfence  }
0xb8: {  	s30 =	sld [smem:$0x0];
	_ =	sdelay $0x2  }
0xb9: {  	s31 =	sshll.u32 s1, $0xD;
	s1 =	sshrl.u32 s1, $0x2  }
0xba: {  	s3 =	sand.u32 $0x4000, s31;
	s1 =	sadd.s32 s1, s30  }
0xbb: {  	s0 =	sor.u32 s3, s0;
	s1 =	sshll.u32 s1, $0x11  }
0xbc: {  	s0 =	sor.u32 s1, s0  }
0xbd: {  	s0 =	sadd.s32 $0x8F2B, s0  }
0xbe: {  	[sflag:s0] =	ssyncadd.remote.s32 $0x1  }
0xbf: {  	_ =	sfence.sel $0xFFFF  }
0xc0: {  	[dreg:$0x0] =	wrdreg $0xFFFFFFFF;
	(pc) =	sbr.abs _section_cstart, $3  }
0xc1: {  	[dreg:$0x1] =	wrdreg $0xFFFFFFFF  }
0xc2: {  	_ =	task.clear_ibuf [dreg:s8], $0x2FFFF;
	_ =	strace $0x9FFFFFFF  }
0xc3: {  	(tm) =	ssettm $0x7FFFFFFF  }
tec
execute0_lowered:
.L_overlay_start_1:
0x0: {  	(tag) =	ssettag $0x1  }
0x1: {  	s4 =	rddreg [dreg:$0x0]  }
0x2: {  	s6 =	rddreg [dreg:$0x1];
	s1 =	srdreg.scid  }
0x3: {  	s0 =	rddreg [dreg:$0x2];
	s2 =	simm.s32 $0x0;
	s12 =	simm.s32 $0x2  }
0x4: {  	s13 =	simm.s32 $0x8100;
	s14 =	simm.s32 $0x8180;
	s15 =	simm.s32 $0x3  }
0x5: {  	s16 =	simm.s32 $0x4;
	s17 =	simm.s32 $0x0;
	s3 =	sand.u32 $0x1, s1  }
0x6: {  	[smem:$0x7FF] =	sst s2;
	s1 =	stileid.u32;
	s5 =	sshll.u32 s3, $0x4  }
0x7: {  	_ =	strace $0x80000047;
	s3 =	ssub.s32 $0x2, s3;
	s5 =	sor.u32 s1, s5  }
0x8: {  	s9 =	sshll.u32 s1, $0x8;
	s11 =	sshrl.u32 s3, $0x1;
	s7 =	sshllo.u32 s5, $0x1  }
0x9: {  	s8 =	sshll.u32 s5, $0xE;
	s30 =	ssub.s32 s3, s11;
	s5 =	sshll.u32 s5, $0x3  }
0xa: {  	s11 =	simm.s32 $0x1;
	s9 =	sor.u32 s9, s8;
	s10 =	sshll.u32 s7, $0x7  }
.Ltmp0:
0xb: {  	s5 =	sadd.s32 s6, s5;
	s7 =	sshll.u32 s7, $0x2;
	(pc) =	sbr.rel .LBB2_1-.Ltmp0, $4  }
0xc: {  	v0 =	vlaneseq.u32;
	s9 =	sand.u32 $0x70300, s9;
	s8 =	sor.u32 s8, s10;
	s6 =	sadd.s32 s6, s7  }
0xd: {  	v0 =	vmul.u32 $0xFFFFFFFF, v0;
	s7 =	smax.u32 s30, $0x1;
	s10 =	simm.s32 $0x2000;
	s8 =	sand.u32 $0x70380, s8  }
0xe: {  	s31 =	sshrl.u32 s9, $0x3;
	s9 =	simm.s32 $0x400;
	s8 =	sshrl.u32 s8, $0x3  }
0xf: {  	v1 =	vimm.f32 $-Inf;
	v2 =	vimm.s32 $0x0;
	v0 =	vadd.s32 $0xF, v0;
	s3 =	sadd.s32 s4, s31;
	s4 =	sadd.s32 s4, s8;
	s8 =	simm.s32 $0x80  }
.LBB2_31:
0x10: {  	s19 =	simm.s32 $0x0;
	s20 =	simm.s32 $0x0  }
.LBB2_35:
0x11: {  	vm0 =	veq.f32 v3, v4  }
0x12: {  	v6 =	vsel vm0, $0x1, v2  }
0x13: {  	(xrf0) =	vadd.scan.msk.s32 $0xffff, v6;
	_ =	sdelay $0x5  }
0x14: {  	v6, _, _ =	vpop (xrf0)  }
0x15: {  	v6 =	vadd.s32 s20, v6  }
0x16: {  	vm1 =	vle.s32 v6, v5  }
0x17: {  	vm2 =	vgt.f32 v3, v4;
	vm1 =	vmand vm0, vm1  }
0x18: {  	v59 =	vmpcnt.ones.xlane vm0;
	vm14 =	vmor vm2, vm1  }
0x19: {  	v60 =	vmpcnt.ones.xlane vm14  }
0x1a: {  	(v2sf) =	vpush v59, $0x0;
	v61 =	vsel vm14, $0x1, v2  }
0x1b: {  	(xrf0) =	vadd.scan.msk.s32 $0xffff, v61;
	(v2sf) =	vpush v60, $0x0  }
0x1c: {  	s19 =	sadd.s32 @p0 s19, s23  }
0x1d: {  	s18 =	smov.u32 @p0 s19  }
0x1e: {  	v62 =	vmov s18  }
0x1f: {  	v4 =	vadd.s32 $0xFFFFFFFF, v62  }
0x20: {  	v4 =	vbroadcast v4, $0x0  }
0x21: {  	v63, _, _ =	vpop (xrf0)  }
0x22: {  	v4 =	vadd.s32 v63, v4  }
0x23: {  	vm15 =	vgt.s32 v4, $0x0  }
0x24: {  	v4 =	vnsel vm15, $0x0, v4  }
0x25: {  	v4 =	vmin.u32 v4, $0x3F;
	_ =	sdelay $0x3  }
0x26: {  	s30 =	spop (v2sf)  }
0x27: {  	[tilespmem:v4+s14+$0x0] =	vst.idx.msk vm14, v3;
	s31 =	spop (v2sf)  }
.LBB2_36:
0x28: {  	[hbm4b:s6+s2] =	stream.linear.scatter [tilespmem:s14], [sflag:$0x4], $0x20, $0x38;
	[tilespmem:$0x8200] =	vst v63  }
0x29: {  	s17 =	sadd.s32 $0x1, s17  }
0x2a: {  	_ =	swait.ge [sflag:s15], $0x20;
	p0 =	sne.s32 s17, s7  }
.Ltmp1:
0x2b: {  	[sflag:s15] =	ssyncset.done $0x0;
	(pc) =	sbr.rel @!p0 .LBB2_37-.Ltmp1, $4  }
0x2c: {  	[sflag:s15] =	ssyncadd.s32 $0xFFFFFFE0  }
0x2d: {  	_ =	swait.ge [sflag:s16], $0x20  }
0x2e: {  	[sflag:s16] =	ssyncset.done $0x0  }
0x2f: {  	[sflag:s16] =	ssyncadd.s32 $0xFFFFFFE0  }
.LBB2_1:
0x30: {  	[tilespmem:s2], [sflag:$0x1] =	stream.strided.gather [hbm4b:s3+s8], $0x2000, s9, s8, $0x38;
	[tilespmem:$0x8200] =	vst v63  }
0x31: {  	_ = 	snop  }
0x32: {  	[tilespmem:s10], [sflag:$0x2] =	stream.strided.gather [hbm4b:s4+s8], $0x2000, s9, s8, $0x38;
	[tilespmem:$0x8200] =	vst v63  }
0x33: {  	_ =	swait.ge [sflag:s11], $0x2000  }
.Ltmp2:
0x34: {  	[sflag:s11] =	ssyncset.done $0x0;
	(pc) =	sbr.rel .LBB2_2-.Ltmp2, $4  }
0x35: {  	[sflag:s11] =	ssyncadd.s32 $0xFFFFE000  }
0x36: {  	s19 =	simm.s32 $0x0;
	_ =	swait.ge [sflag:s12], $0x2000  }
0x37: {  	s18 =	simm.s32 $0x0;
	v7 =	vimm.f32 $-Inf;
	v3 =	vimm.f32 $-Inf;
	v4 =	vimm.f32 $-Inf;
	s20 =	simm.s32 $0x0;
	[sflag:s12] =	ssyncset.done $0x0  }
0x38: {  	s22 =	simm.s32 $0x0;
	v8 =	vimm.f32 $-Inf;
	v5 =	vimm.f32 $-Inf;
	v6 =	vimm.f32 $-Inf;
	s21 =	simm.s32 $0x0;
	[sflag:s12] =	ssyncadd.s32 $0xFFFFE000  }
.LBB2_8:
0x39: {  	s23 =	smov.u32 s19  }
.LBB2_20:
0x3a: {  	v10 =	vmax.f32 @p1 v11, v10  }
0x3b: {  	v11, _, _ =	vpop @p0 (xrf1);
	(xrf1) =	vsort.ascd.msk.f32 @p1 $0xffff, v10, v10  }
0x3c: {  	v10 =	vmax.f32 @p0 v11, v9  }
0x3d: {  	v9 =	vmin.f32 @p0 v11, v9;
	(xrf1) =	vsort.ascd.msk.f32 @p0 $0xffff, v10, v10  }
0x3e: {  	(xrf1) =	vsort.ascd.msk.f32 @p0 $0xffff, v9, v9;
	_ =	sdelay $0x4  }
0x3f: {  	(xrf1) =	vsort.ascd.msk.f32 $0xffff, v7, v7;
	_ =	sdelay $0x5  }
0x40: {  	v7, _, _ =	vpop @p1 (xrf1)  }
0x41: {  	v7 =	vpsel p1, v7, v4  }
0x42: {  	v9, _, _ =	vpop @p0 (xrf1);
	v7 =	vperm.xlane @p0 v7, v0  }
0x43: {  	v10, _, _ =	vpop @p0 (xrf1)  }
0x44: {  	v3 =	vpsel p0, v9, v3;
	v9 =	vpsel p0, v10, v0;
	v7 =	vpsel p0, v7, v0  }
0x45: {  	v7 =	vmax.f32 @p0 v9, v7  }
0x46: {  	(xrf1) =	vsort.ascd.msk.f32 @p0 $0xffff, v7, v7  }
0x47: {  	v3 =	vperm.xlane v3, v0  }
0x48: {  	v9, _, _ =	vpop (xrf1)  }
0x49: {  	v7 =	vmax.f32 v9, v3  }
0x4a: {  	v3 =	vmin.f32 v9, v3;
	(xrf1) =	vsort.ascd.msk.f32 $0xffff, v7, v7  }
0x4b: {  	(xrf1) =	vsort.ascd.msk.f32 $0xffff, v3, v3;
	_ =	sdelay $0x8  }
0x4c: {  	v3, _, _ =	vpop @p0 (xrf1)  }
0x4d: {  	v3 =	vpsel p0, v3, v4;
	_ =	sdelay $0x2  }
0x4e: {  	v4 =	vperm.xlane v3, v0;
	v3, _, _ =	vpop (xrf1)  }
0x4f: {  	v7, _, _ =	vpop (xrf1)  }
0x50: {  	v4 =	vmax.f32 v7, v4  }
0x51: {  	(xrf1) =	vsort.ascd.msk.f32 $0xffff, v4, v4;
	_ =	sdelay $0xa  }
0x52: {  	s23 =	sadd.s32 @p1 $0x10, s23;
	s24 =	smov.u32 s19  }
0x53: {  	s24 =	smov.u32 @p1 s23  }
0x54: {  	s23 =	sadd.s32 @p0 $0x10, s24  }
0x55: {  	s19 =	smov.u32 @p0 s23;
	v4, _, _ =	vpop (xrf1)  }
0x56: {  	s19 =	sadd.s32 $0x10, s19;
	v7 =	vbroadcast v4, $0x0  }
.LBB2_21:
0x57: {  	s21 =	sadd.s32 $0x1, s21  }
0x58: {  	p0 =	sne.s32 s21, $0x20  }
.Ltmp3:
0x59: {  	_ = 	snop;
	(pc) =	sbr.rel @!p0 .LBB2_22-.Ltmp3, $1  }
0x5a: {  	_ =	sdelay $0x3  }
.LBB2_2:
0x5b: {  	s23 =	sshll.u32 s21, $0x8  }
0x5c: {  	v32 =	vld [tilespmem:s23+$0x0]  }
0x5d: {  	v33 =	vld [tilespmem:s23+$0x10]  }
0x5e: {  	v34 =	vld [tilespmem:s23+$0x20]  }
0x5f: {  	v35 =	vld [tilespmem:s23+$0x30]  }
0x60: {  	v36 =	vld [tilespmem:s23+$0x40]  }
0x61: {  	v37 =	vld [tilespmem:s23+$0x50]  }
0x62: {  	v38 =	vld [tilespmem:s23+$0x60]  }
0x63: {  	v39 =	vld [tilespmem:s23+$0x70]  }
0x64: {  	v40 =	vld [tilespmem:s23+$0x80]  }
0x65: {  	v31 =	vld [tilespmem:s23+$0x90]  }
0x66: {  	v30 =	vld [tilespmem:s23+$0xA0]  }
0x67: {  	v41 =	vimm.s32 $0x0;
	v42 =	vimm.s32 $0x0;
	v43 =	vimm.s32 $0x0;
	v29 =	vld [tilespmem:s23+$0xB0]  }
0x68: {  	v21 =	vld [tilespmem:s23+$0xC0];
	vm9 =	vge.f32 v32, v8;
	vm11 =	vge.f32 v33, v8;
	vm14 =	vge.f32 v34, v8  }
0x69: {  	v16 =	vld [tilespmem:s23+$0xD0];
	vm2 =	vge.f32 v35, v8;
	vm0 =	vge.f32 v36, v8;
	v11 =	vmpcnt.ones.xlane vm9  }
0x6a: {  	v12 =	vld [tilespmem:s23+$0xE0];
	vm1 =	vge.f32 v37, v8;
	vm15 =	vge.f32 v38, v8;
	v13 =	vmpcnt.ones.xlane vm11  }
0x6b: {  	v9 =	vld [tilespmem:s23+$0xF0];
	vm13 =	vge.f32 v39, v8;
	v14 =	vmpcnt.ones.xlane vm14;
	(v2sf) =	vpush v11, $0x0  }
0x6c: {  	v10 =	vld [tilespmem:s23+$0x2000];
	vm12 =	vge.f32 v40, v8;
	v15 =	vmpcnt.ones.xlane vm2;
	(v2sf) =	vpush v13, $0x0  }
0x6d: {  	v45 =	vld [tilespmem:s23+$0x20F0];
	vm10 =	vge.f32 v31, v8;
	v17 =	vmpcnt.ones.xlane vm0;
	(v2sf) =	vpush v14, $0x0  }
0x6e: {  	vm8 =	vge.f32 v30, v8;
	v18 =	vmpcnt.ones.xlane vm1;
	v11 =	vld [tilespmem:s23+$0x2010];
	(v2sf) =	vpush v15, $0x0  }
0x6f: {  	vm7 =	vge.f32 v29, v8;
	v19 =	vmpcnt.ones.xlane vm15;
	v13 =	vld [tilespmem:s23+$0x2020];
	(v2sf) =	vpush v17, $0x0  }
0x70: {  	vm5 =	vge.f32 v21, v8;
	v20 =	vmpcnt.ones.xlane vm13;
	v14 =	vld [tilespmem:s23+$0x2030];
	(v2sf) =	vpush v18, $0x0  }
0x71: {  	vm3 =	vge.f32 v16, v8;
	v22 =	vmpcnt.ones.xlane vm12;
	v15 =	vld [tilespmem:s23+$0x2040];
	(v2sf) =	vpush v19, $0x0  }
0x72: {  	vm6 =	vge.f32 v12, v8;
	v23 =	vmpcnt.ones.xlane vm10;
	v17 =	vld [tilespmem:s23+$0x2050];
	(v2sf) =	vpush v20, $0x0  }
0x73: {  	v24 =	vmpcnt.ones.xlane vm8;
	v25 =	vmpcnt.ones.xlane vm7;
	v18 =	vld [tilespmem:s23+$0x2060];
	(v2sf) =	vpush v22, $0x0  }
0x74: {  	v26 =	vmpcnt.ones.xlane vm5;
	v27 =	vmpcnt.ones.xlane vm3;
	v19 =	vld [tilespmem:s23+$0x2070];
	(v2sf) =	vpush v23, $0x0  }
0x75: {  	v28 =	vmpcnt.ones.xlane vm6;
	v20 =	vld [tilespmem:s23+$0x2080];
	(v2sf) =	vpush v24, $0x0;
	v24 =	vsel vm3, $0xFFFFFFFF, v41  }
0x76: {  	v22 =	vld [tilespmem:s23+$0x2090];
	(v2sf) =	vpush v25, $0x0;
	v25 =	vsel vm6, $0xFFFFFFFF, v42;
	vm6 =	vge.f32 v9, v8  }
0x77: {  	v44 =	vimm.s32 $0x0;
	v23 =	vld [tilespmem:s23+$0x20A0];
	[tilespmem:$0x1FFC0] =	vst v24;
	(v2sf) =	vpush v26, $0x0;
	v26 =	vsel vm6, $0xFFFFFFFF, v43  }
0x78: {  	v24 =	vld [tilespmem:s23+$0x20B0];
	[tilespmem:$0x1FFD0] =	vst v25;
	v41 =	vmpcnt.ones.xlane vm6;
	vm6 =	vge.f32 v10, v7;
	(v2sf) =	vpush v27, $0x0  }
0x79: {  	v25 =	vld [tilespmem:s23+$0x20C0];
	[tilespmem:$0x1FFE0] =	vst v26;
	v27 =	vsel vm6, $0xFFFFFFFF, v44;
	(v2sf) =	vpush v28, $0x0  }
0x7a: {  	v26 =	vld [tilespmem:s23+$0x20D0];
	[tilespmem:$0x1FFF0] =	vst v27;
	s28 =	spop (v2sf)  }
0x7b: {  	v27 =	vld [tilespmem:s23+$0x20E0];
	[tilespmem:s22+$0x4000] =	vst.msk vm9, v32;
	s29 =	sadd.s32 s22, s28;
	s30 =	spop (v2sf)  }
0x7c: {  	[tilespmem:s29+$0x4000] =	vst.msk vm11, v33;
	s22 =	sadd.s32 s29, s30;
	s31 =	spop (v2sf)  }
0x7d: {  	vm4 =	vge.f32 v11, v7;
	v42 =	vmpcnt.ones.xlane vm6;
	[tilespmem:s22+$0x4000] =	vst.msk vm14, v34;
	s22 =	sadd.s32 s22, s31;
	s24 =	spop (v2sf)  }
0x7e: {  	v46 =	vmpcnt.ones.xlane vm4;
	vm6 =	vge.f32 v13, v7;
	(v2sf) =	vpush v41, $0x0;
	[tilespmem:s22+$0x4000] =	vst.msk vm2, v35;
	s22 =	sadd.s32 s22, s24;
	s25 =	spop (v2sf)  }
0x7f: {  	v47 =	vmpcnt.ones.xlane vm6;
	vm9 =	vge.f32 v14, v7;
	(v2sf) =	vpush v42, $0x0;
	[tilespmem:s22+$0x4000] =	vst.msk vm0, v36;
	s22 =	sadd.s32 s22, s25;
	s26 =	spop (v2sf)  }
0x80: {  	v48 =	vmpcnt.ones.xlane vm9;
	(v2sf) =	vpush v46, $0x0;
	vm11 =	vge.f32 v15, v7;
	[tilespmem:s22+$0x4000] =	vst.msk vm1, v37;
	s22 =	sadd.s32 s22, s26;
	s28 =	spop (v2sf)  }
0x81: {  	(v2sf) =	vpush v47, $0x0;
	v49 =	vmpcnt.ones.xlane vm11;
	vm14 =	vge.f32 v17, v7;
	[tilespmem:s22+$0x4000] =	vst.msk vm15, v38;
	s22 =	sadd.s32 s22, s28;
	s29 =	spop (v2sf)  }
0x82: {  	v60 =	vld [tilespmem:$0x1FFC0];
	(v2sf) =	vpush v48, $0x0;
	v50 =	vmpcnt.ones.xlane vm14;
	vm2 =	vge.f32 v18, v7;
	[tilespmem:s22+$0x4000] =	vst.msk vm13, v39;
	s22 =	sadd.s32 s22, s29;
	s30 =	spop (v2sf)  }
0x83: {  	v61 =	vld [tilespmem:$0x1FFD0];
	(v2sf) =	vpush v49, $0x0;
	v51 =	vmpcnt.ones.xlane vm2;
	vm0 =	vge.f32 v19, v7;
	[tilespmem:s22+$0x4000] =	vst.msk vm12, v40;
	s22 =	sadd.s32 s22, s30;
	s31 =	spop (v2sf)  }
0x84: {  	v63 =	vld [tilespmem:$0x1FFE0];
	(v2sf) =	vpush v50, $0x0;
	v52 =	vmpcnt.ones.xlane vm0;
	vm1 =	vge.f32 v20, v7;
	[tilespmem:s22+$0x4000] =	vst.msk vm10, v31;
	s22 =	sadd.s32 s22, s31;
	s24 =	spop (v2sf)  }
0x85: {  	(v2sf) =	vpush v51, $0x0;
	v53 =	vmpcnt.ones.xlane vm1;
	vm15 =	vge.f32 v22, v7;
	[tilespmem:s22+$0x4000] =	vst.msk vm8, v30;
	s22 =	sadd.s32 s22, s24;
	s25 =	spop (v2sf)  }
0x86: {  	(v2sf) =	vpush v52, $0x0;
	v54 =	vmpcnt.ones.xlane vm15;
	vm13 =	vge.f32 v23, v7;
	[tilespmem:s22+$0x4000] =	vst.msk vm7, v29;
	s22 =	sadd.s32 s22, s25;
	s26 =	spop (v2sf)  }
0x87: {  	vm3 =	vnez.u8 v60;
	(v2sf) =	vpush v53, $0x0;
	v55 =	vmpcnt.ones.xlane vm13;
	[tilespmem:s22+$0x4000] =	vst.msk vm5, v21;
	s22 =	sadd.s32 s22, s26;
	s28 =	spop (v2sf)  }
0x88: {  	vm12 =	vge.f32 v24, v7;
	(v2sf) =	vpush v54, $0x0;
	[tilespmem:s22+$0x4000] =	vst.msk vm3, v16;
	s22 =	sadd.s32 s22, s28;
	s29 =	spop (v2sf);
	vm3 =	vnez.u8 v61  }
0x89: {  	v56 =	vmpcnt.ones.xlane vm12;
	vm10 =	vge.f32 v25, v7;
	[tilespmem:s22+$0x4000] =	vst.msk vm3, v12;
	s22 =	sadd.s32 s22, s29;
	vm3 =	vnez.u8 v63  }
0x8a: {  	(v2sf) =	vpush v55, $0x0;
	v57 =	vmpcnt.ones.xlane vm10;
	vm8 =	vge.f32 v26, v7;
	[tilespmem:s22+$0x4000] =	vst.msk vm3, v9;
	v9 =	vld [tilespmem:$0x1FFF0]  }
0x8b: {  	(v2sf) =	vpush v56, $0x0;
	v58 =	vmpcnt.ones.xlane vm8;
	vm7 =	vge.f32 v27, v7  }
0x8c: {  	(v2sf) =	vpush v57, $0x0;
	v59 =	vmpcnt.ones.xlane vm7  }
0x8d: {  	vm5 =	vge.f32 v45, v7;
	(v2sf) =	vpush v58, $0x0  }
0x8e: {  	v62 =	vmpcnt.ones.xlane vm5;
	s23 =	spop (v2sf);
	(v2sf) =	vpush v59, $0x0  }
0x8f: {  	s24 =	spop (v2sf);
	vm3 =	vnez.u8 v9  }
0x90: {  	(v2sf) =	vpush v62, $0x0;
	s30 =	sadd.s32 s18, s24;
	s31 =	spop (v2sf);
	[tilespmem:s18+$0x6080] =	vst.msk vm3, v10  }
0x91: {  	s25 =	spop (v2sf);
	s18 =	sadd.s32 s30, s31;
	[tilespmem:s30+$0x6080] =	vst.msk vm4, v11  }
0x92: {  	s26 =	spop (v2sf);
	[tilespmem:s18+$0x6080] =	vst.msk vm6, v13;
	s18 =	sadd.s32 s18, s25  }
0x93: {  	s28 =	spop (v2sf);
	[tilespmem:s18+$0x6080] =	vst.msk vm9, v14;
	s18 =	sadd.s32 s18, s26  }
0x94: {  	s29 =	spop (v2sf);
	[tilespmem:s18+$0x6080] =	vst.msk vm11, v15;
	s18 =	sadd.s32 s18, s28  }
0x95: {  	s30 =	spop (v2sf);
	[tilespmem:s18+$0x6080] =	vst.msk vm14, v17;
	s18 =	sadd.s32 s18, s29  }
0x96: {  	s31 =	spop (v2sf);
	[tilespmem:s18+$0x6080] =	vst.msk vm2, v18;
	s18 =	sadd.s32 s18, s30  }
0x97: {  	s25 =	spop (v2sf);
	[tilespmem:s18+$0x6080] =	vst.msk vm0, v19;
	s18 =	sadd.s32 s18, s31  }
0x98: {  	s22 =	sadd.s32 s22, s23;
	s26 =	spop (v2sf);
	[tilespmem:s18+$0x6080] =	vst.msk vm1, v20;
	s18 =	sadd.s32 s18, s25  }
0x99: {  	s24 =	ssub.s32 s22, s20;
	s28 =	spop (v2sf);
	[tilespmem:s18+$0x6080] =	vst.msk vm15, v22;
	s18 =	sadd.s32 s18, s26  }
0x9a: {  	p0 =	slt.s32 s24, $0x10;
	s29 =	spop (v2sf);
	[tilespmem:s18+$0x6080] =	vst.msk vm13, v23;
	s18 =	sadd.s32 s18, s28  }
.Ltmp4:
0x9b: {  	s30 =	spop (v2sf);
	[tilespmem:s18+$0x6080] =	vst.msk vm12, v24;
	s18 =	sadd.s32 s18, s29;
	(pc) =	sbr.rel @p0 .LBB2_6-.Ltmp4, $4  }
0x9c: {  	s31 =	spop (v2sf);
	[tilespmem:s18+$0x6080] =	vst.msk vm10, v25;
	s18 =	sadd.s32 s18, s30  }
0x9d: {  	s25 =	spop (v2sf);
	[tilespmem:s18+$0x6080] =	vst.msk vm8, v26;
	s18 =	sadd.s32 s18, s31  }
0x9e: {  	[tilespmem:s18+$0x6080] =	vst.msk vm7, v27;
	s18 =	sadd.s32 s18, s25  }
0x9f: {  	s23 =	spop (v2sf);
	[tilespmem:s18+$0x6080] =	vst.msk vm5, v45  }
0xa0: {  	s24 =	sadd.s32 $0xFFFFFFF0, s24  }
0xa1: {  	p2 =	sgt.s32 s24, $0xF  }
.Ltmp5:
0xa2: {  	_ = 	snop;
	(pc) =	sbr.rel @!p2 .LBB2_4-.Ltmp5, $4  }
0xa3: {  	s25 =	sshll.u32 s20, $0x2  }
0xa4: {  	s25 =	sshra.s32 s25, $0x2  }
0xa5: {  	s25 =	sadd.s32 $0x4000, s25  }
0xa6: {  	p0 =	por $0x0, $0x0;
	p1 =	por $0x0, $0x0;
	v8 =	vld [tilespmem:s25+$0x0]  }
0xa7: {  	s24 =	sadd.s32 $0xFFFFFFF0, s24  }
0xa8: {  	p2 =	sgt.s32 s24, $0xF  }
.Ltmp6:
0xa9: {  	_ = 	snop;
	(pc) =	sbr.rel @!p2 .LBB2_10-.Ltmp6, $3  }
0xaa: {  	_ =	sdelay $0x1  }
0xab: {  	s26 =	sadd.s32 $0x10, s25  }
0xac: {  	v9 =	vperm.xlane v5, v0;
	p0 =	por $0x1, $0x1;
	(xrf1) =	vsort.ascd.msk.f32 $0xffff, v8, v8;
	v8 =	vld [tilespmem:s26+$0x0]  }
0xad: {  	_ =	sdelay $0xc  }
0xae: {  	v10, _, _ =	vpop (xrf1)  }
0xaf: {  	v11 =	vmax.f32 v10, v9  }
0xb0: {  	v9 =	vmin.f32 v10, v9;
	(xrf1) =	vsort.ascd.msk.f32 $0xffff, v11, v11  }
0xb1: {  	(xrf1) =	vsort.ascd.msk.f32 $0xffff, v9, v9  }
0xb2: {  	(xrf1) =	vsort.ascd.msk.f32 $0xffff, v8, v8;
	_ =	sdelay $0x6  }
0xb3: {  	s25 =	sadd.s32 $0xFFFFFFF0, s24  }
0xb4: {  	p2 =	sgt.s32 s25, $0xF  }
.Ltmp7:
0xb5: {  	_ = 	snop;
	(pc) =	sbr.rel @!p2 .LBB2_12-.Ltmp7, $3  }
0xb6: {  	_ =	sdelay $0x1  }
0xb7: {  	s26 =	sadd.s32 $0x10, s26;
	v10 =	vperm.xlane v6, v0;
	v9, _, _ =	vpop (xrf1)  }
0xb8: {  	p1 =	por $0x1, $0x1;
	s24 =	smov.u32 s20;
	v8 =	vld [tilespmem:s26+$0x0];
	v9 =	vperm.xlane v9, v0;
	v11, _, _ =	vpop (xrf1)  }
.LBB2_13:
0xb9: {  	s25 =	sadd.s32 $0xFFFFFFF0, s25;
	v12, _, _ =	vpop (xrf1);
	v10 =	vmax.f32 v11, v10;
	s24 =	sadd.s32 $0x10, s24  }
0xba: {  	p2 =	sgt.s32 s25, $0xF;
	v11 =	vmax.f32 v12, v9;
	v9 =	vmin.f32 v12, v9;
	(xrf1) =	vsort.ascd.msk.f32 $0xffff, v10, v10  }
0xbb: {  	(xrf1) =	vsort.ascd.msk.f32 $0xffff, v11, v11  }
0xbc: {  	(xrf1) =	vsort.ascd.msk.f32 $0xffff, v9, v9  }
0xbd: {  	(xrf1) =	vsort.ascd.msk.f32 $0xffff, v8, v8;
	_ =	sdelay $0x8  }
.Ltmp8:
0xbe: {  	(pc) =	sbr.rel @p2 .LBB2_13-.Ltmp8, $4  }
0xbf: {  	_ = 	snop  }
0xc0: {  	v8, _, _ =	vpop (xrf1)  }
0xc1: {  	s26 =	sadd.s32 $0x10, s26;
	v10 =	vperm.xlane v8, v0;
	v9, _, _ =	vpop (xrf1)  }
0xc2: {  	v8 =	vld [tilespmem:s26+$0x0];
	v9 =	vperm.xlane v9, v0;
	v11, _, _ =	vpop (xrf1)  }
.LBB2_14:
0xc3: {  	v10 =	vmax.f32 @p1 v11, v10  }
0xc4: {  	v11, _, _ =	vpop @p0 (xrf1);
	(xrf1) =	vsort.ascd.msk.f32 @p1 $0xffff, v10, v10  }
0xc5: {  	v10 =	vmax.f32 @p0 v11, v9  }
0xc6: {  	v9 =	vmin.f32 @p0 v11, v9;
	(xrf1) =	vsort.ascd.msk.f32 @p0 $0xffff, v10, v10  }
0xc7: {  	(xrf1) =	vsort.ascd.msk.f32 @p0 $0xffff, v9, v9;
	_ =	sdelay $0x4  }
0xc8: {  	(xrf1) =	vsort.ascd.msk.f32 $0xffff, v8, v8;
	_ =	sdelay $0x5  }
0xc9: {  	v8, _, _ =	vpop @p1 (xrf1)  }
0xca: {  	v8 =	vpsel p1, v8, v6  }
0xcb: {  	v9, _, _ =	vpop @p0 (xrf1);
	v8 =	vperm.xlane @p0 v8, v0  }
0xcc: {  	v10, _, _ =	vpop @p0 (xrf1)  }
0xcd: {  	v5 =	vpsel p0, v9, v5;
	v9 =	vpsel p0, v10, v0;
	v8 =	vpsel p0, v8, v0  }
0xce: {  	v8 =	vmax.f32 @p0 v9, v8  }
0xcf: {  	(xrf1) =	vsort.ascd.msk.f32 @p0 $0xffff, v8, v8  }
0xd0: {  	v5 =	vperm.xlane v5, v0  }
0xd1: {  	v63, _, _ =	vpop (xrf1)  }
0xd2: {  	v8 =	vmax.f32 v63, v5  }
0xd3: {  	v5 =	vmin.f32 v63, v5;
	(xrf1) =	vsort.ascd.msk.f32 $0xffff, v8, v8  }
0xd4: {  	(xrf1) =	vsort.ascd.msk.f32 $0xffff, v5, v5;
	_ =	sdelay $0x8  }
0xd5: {  	v5, _, _ =	vpop @p0 (xrf1)  }
0xd6: {  	v5 =	vpsel p0, v5, v6;
	_ =	sdelay $0x2  }
0xd7: {  	v6 =	vperm.xlane v5, v0;
	v5, _, _ =	vpop (xrf1)  }
0xd8: {  	v8, _, _ =	vpop (xrf1)  }
0xd9: {  	v6 =	vmax.f32 v8, v6  }
0xda: {  	(xrf1) =	vsort.ascd.msk.f32 $0xffff, v6, v6;
	_ =	sdelay $0x9  }
0xdb: {  	s24 =	sadd.s32 @p1 $0x10, s24;
	s25 =	smov.u32 s20  }
0xdc: {  	s25 =	smov.u32 @p1 s24  }
0xdd: {  	s24 =	sadd.s32 @p0 $0x10, s25  }
0xde: {  	s20 =	smov.u32 @p0 s24  }
0xdf: {  	s20 =	sadd.s32 $0x10, s20;
	v6, _, _ =	vpop (xrf1)  }
0xe0: {  	v8 =	vbroadcast v6, $0x0  }
.LBB2_6:
0xe1: {  	s18 =	sadd.s32 s18, s23  }
0xe2: {  	s23 =	ssub.s32 s18, s19  }
0xe3: {  	p0 =	slt.s32 s23, $0x10  }
.Ltmp9:
0xe4: {  	_ = 	snop;
	(pc) =	sbr.rel @p0 .LBB2_21-.Ltmp9, $1  }
0xe5: {  	_ =	sdelay $0x3  }
0xe6: {  	s23 =	sadd.s32 $0xFFFFFFF0, s23  }
0xe7: {  	p2 =	sgt.s32 s23, $0xF  }
.Ltmp10:
0xe8: {  	_ = 	snop;
	(pc) =	sbr.rel @!p2 .LBB2_8-.Ltmp10, $4  }
0xe9: {  	s24 =	sshll.u32 s19, $0x2  }
0xea: {  	s24 =	sshra.s32 s24, $0x2  }
0xeb: {  	s24 =	sadd.s32 $0x6080, s24  }
0xec: {  	p0 =	por $0x0, $0x0;
	p1 =	por $0x0, $0x0;
	v7 =	vld [tilespmem:s24+$0x0]  }
0xed: {  	_ =	sdelay $0x3  }
0xee: {  	(xrf1) =	vsort.ascd.msk.f32 $0xffff, v7, v7;
	_ =	sdelay $0x5  }
0xef: {  	s23 =	sadd.s32 $0xFFFFFFF0, s23  }
0xf0: {  	p2 =	sgt.s32 s23, $0xF  }
.Ltmp11:
0xf1: {  	_ = 	snop;
	(pc) =	sbr.rel @!p2 .LBB2_16-.Ltmp11, $3  }
0xf2: {  	_ =	sdelay $0x1  }
0xf3: {  	s25 =	sadd.s32 $0x10, s24  }
0xf4: {  	v9 =	vperm.xlane v3, v0;
	p0 =	por $0x1, $0x1;
	v7 =	vld [tilespmem:s25+$0x0]  }
0xf5: {  	_ = 	snop  }
0xf6: {  	v10, _, _ =	vpop (xrf1)  }
0xf7: {  	v11 =	vmax.f32 v10, v9  }
0xf8: {  	v9 =	vmin.f32 v10, v9;
	(xrf1) =	vsort.ascd.msk.f32 $0xffff, v11, v11  }
0xf9: {  	(xrf1) =	vsort.ascd.msk.f32 $0xffff, v9, v9  }
0xfa: {  	(xrf1) =	vsort.ascd.msk.f32 $0xffff, v7, v7;
	_ =	sdelay $0x6  }
0xfb: {  	s24 =	sadd.s32 $0xFFFFFFF0, s23  }
0xfc: {  	p2 =	sgt.s32 s24, $0xF  }
.Ltmp12:
0xfd: {  	_ = 	snop;
	(pc) =	sbr.rel @!p2 .LBB2_18-.Ltmp12, $3  }
0xfe: {  	_ =	sdelay $0x1  }
0xff: {  	s25 =	sadd.s32 $0x10, s25;
	v10 =	vperm.xlane v4, v0;
	v9, _, _ =	vpop (xrf1)  }
0x100: {  	p1 =	por $0x1, $0x1;
	s23 =	smov.u32 s19;
	v7 =	vld [tilespmem:s25+$0x0];
	v9 =	vperm.xlane v9, v0;
	v11, _, _ =	vpop (xrf1)  }
.LBB2_19:
0x101: {  	s24 =	sadd.s32 $0xFFFFFFF0, s24;
	v12, _, _ =	vpop (xrf1);
	v10 =	vmax.f32 v11, v10;
	s23 =	sadd.s32 $0x10, s23  }
0x102: {  	p2 =	sgt.s32 s24, $0xF;
	v11 =	vmax.f32 v12, v9;
	v9 =	vmin.f32 v12, v9;
	(xrf1) =	vsort.ascd.msk.f32 $0xffff, v10, v10  }
0x103: {  	(xrf1) =	vsort.ascd.msk.f32 $0xffff, v11, v11  }
0x104: {  	(xrf1) =	vsort.ascd.msk.f32 $0xffff, v9, v9  }
0x105: {  	(xrf1) =	vsort.ascd.msk.f32 $0xffff, v7, v7;
	_ =	sdelay $0x8  }
.Ltmp13:
0x106: {  	(pc) =	sbr.rel @p2 .LBB2_19-.Ltmp13, $4  }
0x107: {  	_ = 	snop  }
0x108: {  	v7, _, _ =	vpop (xrf1)  }
0x109: {  	s25 =	sadd.s32 $0x10, s25;
	v10 =	vperm.xlane v7, v0;
	v9, _, _ =	vpop (xrf1)  }
0x10a: {  	v7 =	vld [tilespmem:s25+$0x0];
	v9 =	vperm.xlane v9, v0;
	v11, _, _ =	vpop (xrf1)  }
.Ltmp14:
0x10b: {  	_ = 	snop;
	(pc) =	sbr.rel .LBB2_20-.Ltmp14, $1  }
0x10c: {  	_ =	sdelay $0x3  }
.LBB2_4:
.Ltmp15:
0x10d: {  	(pc) =	sbr.rel .LBB2_14-.Ltmp15, $2  }
0x10e: {  	_ =	sdelay $0x2  }
0x10f: {  	s24 =	smov.u32 s20  }
.LBB2_10:
.Ltmp16:
0x110: {  	(pc) =	sbr.rel .LBB2_14-.Ltmp16, $2  }
0x111: {  	_ =	sdelay $0x2  }
0x112: {  	s24 =	smov.u32 s20  }
.LBB2_16:
.Ltmp17:
0x113: {  	(pc) =	sbr.rel .LBB2_20-.Ltmp17, $2  }
0x114: {  	_ =	sdelay $0x2  }
0x115: {  	s23 =	smov.u32 s19  }
.LBB2_12:
.Ltmp18:
0x116: {  	(pc) =	sbr.rel .LBB2_14-.Ltmp18, $2  }
0x117: {  	_ =	sdelay $0x2  }
0x118: {  	s24 =	smov.u32 s20  }
.LBB2_18:
.Ltmp19:
0x119: {  	(pc) =	sbr.rel .LBB2_20-.Ltmp19, $2  }
0x11a: {  	_ =	sdelay $0x2  }
0x11b: {  	s23 =	smov.u32 s19  }
.LBB2_22:
0x11c: {  	[tilespmem:s22+$0x4000] =	vst v1;
	p0 =	sle.s32 s22, s20  }
0x11d: {  	v7 =	vld @!p0 [tilespmem:s20+$0x4000];
	_ =	sdelay $0x4  }
0x11e: {  	(xrf1) =	vsort.ascd.msk.f32 @!p0 $0xffff, v7, v7;
	_ =	sdelay $0x8  }
0x11f: {  	v7 =	vlaneseq.u32 @!p0  }
0x120: {  	v7 =	vmul.u32 @!p0 $0xFFFFFFFF, v7;
	_ =	sdelay $0x1  }
0x121: {  	v7 =	vadd.s32 @!p0 $0xF, v7  }
0x122: {  	v8 =	vperm.xlane @!p0 v5, v7  }
0x123: {  	v9, _, _ =	vpop @!p0 (xrf1)  }
0x124: {  	v10 =	vmax.f32 @!p0 v9, v8  }
0x125: {  	v8 =	vmin.f32 @!p0 v9, v8;
	(xrf1) =	vsort.ascd.msk.f32 @!p0 $0xffff, v10, v10  }
0x126: {  	(xrf1) =	vsort.ascd.msk.f32 @!p0 $0xffff, v8, v8;
	_ =	sdelay $0xa  }
0x127: {  	p1 =	sle.s32 s18, s19;
	[tilespmem:s18+$0x6080] =	vst v1  }
0x128: {  	v8 =	vld @!p1 [tilespmem:s19+$0x6080]  }
0x129: {  	v7 =	vperm.xlane @!p0 v6, v7;
	v9, _, _ =	vpop @!p0 (xrf1)  }
0x12a: {  	v10, _, _ =	vpop @!p0 (xrf1)  }
0x12b: {  	v7 =	vmax.f32 @!p0 v10, v7  }
0x12c: {  	(xrf1) =	vsort.ascd.msk.f32 @!p0 $0xffff, v7, v7  }
0x12d: {  	(xrf1) =	vsort.ascd.msk.f32 @!p1 $0xffff, v8, v8;
	_ =	sdelay $0x8  }
0x12e: {  	v7 =	vlaneseq.u32 @!p1  }
0x12f: {  	v7 =	vmul.u32 @!p1 $0xFFFFFFFF, v7;
	_ =	sdelay $0x1  }
0x130: {  	v7 =	vadd.s32 @!p1 $0xF, v7  }
0x131: {  	v10 =	vperm.xlane @!p1 v3, v7;
	v8, _, _ =	vpop @!p0 (xrf1)  }
0x132: {  	v11, _, _ =	vpop @!p1 (xrf1)  }
0x133: {  	v12 =	vmax.f32 @!p1 v11, v10  }
0x134: {  	v10 =	vmin.f32 @!p1 v11, v10;
	(xrf1) =	vsort.ascd.msk.f32 @!p1 $0xffff, v12, v12  }
0x135: {  	(xrf1) =	vsort.ascd.msk.f32 @!p1 $0xffff, v10, v10;
	_ =	sdelay $0xc  }
0x136: {  	v7 =	vperm.xlane @!p1 v4, v7;
	v10, _, _ =	vpop @!p1 (xrf1)  }
0x137: {  	v11, _, _ =	vpop @!p1 (xrf1)  }
0x138: {  	v7 =	vmax.f32 @!p1 v11, v7  }
0x139: {  	(xrf1) =	vsort.ascd.msk.f32 @!p1 $0xffff, v7, v7;
	_ =	sdelay $0xc  }
0x13a: {  	v7 =	vpsel p0, v6, v8  }
0x13b: {  	v6 =	vbroadcast v7, $0x0;
	v8, _, _ =	vpop @!p1 (xrf1)  }
0x13c: {  	v8 =	vpsel p1, v4, v8  }
0x13d: {  	v5 =	vpsel p0, v5, v9;
	vm0 =	vgt.f32 v7, v6;
	v4 =	vbroadcast v8, $0x0  }
0x13e: {  	vm13 =	vgt.f32 v5, v6;
	v7 =	vmpcnt.ones.xlane vm0  }
0x13f: {  	v3 =	vpsel p1, v3, v10;
	v5 =	vmpcnt.ones.xlane vm13;
	vm14 =	vgt.f32 v8, v4  }
0x140: {  	(v2sf) =	vpush v7, $0x0;
	vm15 =	vgt.f32 v3, v4;
	v7 =	vmpcnt.ones.xlane vm14  }
0x141: {  	(v2sf) =	vpush v5, $0x0;
	v3 =	vmpcnt.ones.xlane vm15  }
0x142: {  	(v2sf) =	vpush v7, $0x0  }
0x143: {  	(v2sf) =	vpush v3, $0x0;
	_ =	sdelay $0x2  }
0x144: {  	s29 =	sadd.s32 $0xF, s22  }
0x145: {  	s30 =	sand.u32 $0xF, s29  }
0x146: {  	s21 =	sshra.s32 s29, $0x1F;
	p5 =	slt.s32 s29, $0x1;
	p6 =	sne.s32 s30, $0x0  }
0x147: {  	s31 =	sshrl.u32 s21, $0x1C;
	p0 =	por !p5, !p6  }
0x148: {  	s20 =	simm.s32 $0x1;
	s19 =	sadd.s32 s31, s29;
	p0 =	por !p0, !p0  }
0x149: {  	s19 =	sshra.s32 s19, $0x4;
	s20 =	simm.s32 @!p0 $0x0  }
0x14a: {  	s22 =	ssub.s32 s19, s20  }
0x14b: {  	p0 =	slt.s32 s22, $0x1  }
.Ltmp20:
0x14c: {  	_ = 	snop;
	(pc) =	sbr.rel @p0 .LBB2_29-.Ltmp20, $4  }
0x14d: {  	s21 =	spop (v2sf)  }
0x14e: {  	s23 =	spop (v2sf)  }
0x14f: {  	s19 =	spop (v2sf)  }
0x150: {  	s20 =	spop (v2sf)  }
0x151: {  	p1 =	sne.s32 s22, $0x1  }
.Ltmp21:
0x152: {  	_ = 	snop;
	(pc) =	sbr.rel @!p1 .LBB2_24-.Ltmp21, $4  }
0x153: {  	_ = 	snop  }
0x154: {  	s21 =	sadd.s32 s23, s21  }
0x155: {  	s31 =	simm.s32 $0x4000;
	s21 =	ssub.s32 $0x20, s21  }
0x156: {  	s22 =	sadd.s32 $0xFFFFFFFF, s22;
	p0 =	por $0x0, $0x0;
	v3 =	vld [tilespmem:s31+$0x0];
	v5 =	vmov s21;
	s21 =	simm.s32 $0x0  }
0x157: {  	_ =	sdelay $0x3  }
0x158: {  	vm0 =	veq.f32 v3, v6  }
0x159: {  	v7 =	vsel vm0, $0x1, v2  }
0x15a: {  	(xrf0) =	vadd.scan.msk.s32 $0xffff, v7;
	_ =	sdelay $0x5  }
0x15b: {  	v7, _, _ =	vpop (xrf0)  }
0x15c: {  	v7 =	vadd.s32 s21, v7  }
0x15d: {  	vm1 =	vle.s32 v7, v5  }
0x15e: {  	vm2 =	vgt.f32 v3, v6;
	v7 =	vmpcnt.ones.xlane vm0;
	vm0 =	vmand vm0, vm1  }
0x15f: {  	vm0 =	vmor vm2, vm0  }
0x160: {  	(v2sf) =	vpush v7, $0x0;
	v7 =	vsel vm0, $0x1, v2;
	v8 =	vmpcnt.ones.xlane vm0  }
0x161: {  	(xrf0) =	vadd.scan.msk.s32 $0xffff, v7  }
0x162: {  	(v2sf) =	vpush v8, $0x0;
	_ =	sdelay $0x1  }
0x163: {  	v7 =	vmov s21  }
0x164: {  	v7 =	vadd.s32 $0xFFFFFFFF, v7  }
0x165: {  	v7 =	vbroadcast v7, $0x0  }
0x166: {  	v8, _, _ =	vpop (xrf0)  }
0x167: {  	v7 =	vadd.s32 v8, v7  }
0x168: {  	vm15 =	vgt.s32 v7, $0x0  }
0x169: {  	v7 =	vnsel vm15, $0x0, v7  }
0x16a: {  	v7 =	vmin.u32 v7, $0x3F  }
0x16b: {  	p1 =	sne.s32 s22, $0x1  }
.Ltmp22:
0x16c: {  	_ = 	snop;
	(pc) =	sbr.rel @!p1 .LBB2_26-.Ltmp22, $4  }
0x16d: {  	_ = 	snop  }
0x16e: {  	s24 =	sadd.s32 $0xFFFFFFFF, s22  }
0x16f: {  	s25 =	simm.s32 $0x4010;
	p0 =	por $0x1, $0x1;
	s23 =	spop (v2sf);
	[tilespmem:v7+s13+$0x0] =	vst.idx.msk vm0, v3  }
0x170: {  	s22 =	simm.s32 $0x0;
	s23 =	sadd.s32 $0x0, s23;
	v3 =	vld [tilespmem:s25+$0x0];
	s26 =	spop (v2sf)  }
.LBB2_27:
0x171: {  	p1 =	sne.s32 s24, $0x1;
	s24 =	sadd.s32 $0xFFFFFFFF, s24;
	s22 =	sadd.s32 s22, s26  }
0x172: {  	v7 =	vmov s22  }
0x173: {  	v7 =	vadd.s32 $0xFFFFFFFF, v7;
	_ =	sdelay $0x1  }
0x174: {  	vm0 =	veq.f32 v3, v6  }
0x175: {  	v8 =	vsel vm0, $0x1, v2;
	v9 =	vmpcnt.ones.xlane vm0  }
0x176: {  	(xrf0) =	vadd.scan.msk.s32 $0xffff, v8  }
0x177: {  	(v2sf) =	vpush v9, $0x0;
	_ =	sdelay $0x4  }
0x178: {  	v8, _, _ =	vpop (xrf0)  }
0x179: {  	v8 =	vadd.s32 s23, v8  }
0x17a: {  	vm1 =	vle.s32 v8, v5  }
0x17b: {  	vm2 =	vgt.f32 v3, v6;
	vm0 =	vmand vm0, vm1  }
0x17c: {  	vm0 =	vmor vm2, vm0  }
0x17d: {  	v8 =	vsel vm0, $0x1, v2;
	v9 =	vmpcnt.ones.xlane vm0  }
0x17e: {  	(xrf0) =	vadd.scan.msk.s32 $0xffff, v8  }
0x17f: {  	(v2sf) =	vpush v9, $0x0;
	_ =	sdelay $0x2  }
0x180: {  	s26 =	spop (v2sf)  }
0x181: {  	v7 =	vbroadcast v7, $0x0;
	s23 =	sadd.s32 s23, s26  }
0x182: {  	v8, _, _ =	vpop (xrf0)  }
0x183: {  	v7 =	vadd.s32 v8, v7  }
0x184: {  	vm1 =	vgt.s32 v7, $0x0  }
0x185: {  	v7 =	vnsel vm1, $0x0, v7  }
0x186: {  	v7 =	vmin.u32 v7, $0x3F;
	_ =	sdelay $0x1  }
.Ltmp23:
0x187: {  	(pc) =	sbr.rel @p1 .LBB2_27-.Ltmp23, $3  }
0x188: {  	_ =	sdelay $0x1  }
0x189: {  	s25 =	sadd.s32 $0x10, s25;
	[tilespmem:v7+s13+$0x0] =	vst.idx.msk vm0, v3  }
0x18a: {  	v3 =	vld [tilespmem:s25+$0x0];
	s26 =	spop (v2sf)  }
.LBB2_28:
0x18b: {  	_ =	sdelay $0x3  }
0x18c: {  	vm0 =	veq.f32 v3, v6  }
0x18d: {  	v7 =	vsel vm0, $0x1, v2  }
0x18e: {  	(xrf0) =	vadd.scan.msk.s32 $0xffff, v7;
	_ =	sdelay $0x5  }
0x18f: {  	v7, _, _ =	vpop (xrf0)  }
0x190: {  	v7 =	vadd.s32 s23, v7  }
0x191: {  	vm1 =	vle.s32 v7, v5  }
0x192: {  	vm2 =	vgt.f32 v3, v6;
	vm1 =	vmand vm0, vm1  }
0x193: {  	v5 =	vmpcnt.ones.xlane vm0;
	vm14 =	vmor vm2, vm1  }
0x194: {  	v6 =	vmpcnt.ones.xlane vm14  }
0x195: {  	(v2sf) =	vpush v5, $0x0;
	v5 =	vsel vm14, $0x1, v2  }
0x196: {  	(xrf0) =	vadd.scan.msk.s32 $0xffff, v5;
	(v2sf) =	vpush v6, $0x0  }
0x197: {  	s22 =	sadd.s32 @p0 s22, s26  }
0x198: {  	s21 =	smov.u32 @p0 s22  }
0x199: {  	v5 =	vmov s21  }
0x19a: {  	v5 =	vadd.s32 $0xFFFFFFFF, v5  }
0x19b: {  	v5 =	vbroadcast v5, $0x0  }
0x19c: {  	v6, _, _ =	vpop (xrf0)  }
0x19d: {  	v5 =	vadd.s32 v6, v5  }
0x19e: {  	vm15 =	vgt.s32 v5, $0x0  }
0x19f: {  	v5 =	vnsel vm15, $0x0, v5  }
0x1a0: {  	v5 =	vmin.u32 v5, $0x3F;
	_ =	sdelay $0x3  }
0x1a1: {  	s30 =	spop (v2sf)  }
0x1a2: {  	[tilespmem:v5+s13+$0x0] =	vst.idx.msk vm14, v3;
	s31 =	spop (v2sf)  }
.LBB2_29:
0x1a3: {  	s18 =	sadd.s32 $0xF, s18  }
0x1a4: {  	s21 =	sand.u32 $0xF, s18  }
0x1a5: {  	s22 =	sshra.s32 s18, $0x1F;
	p0 =	slt.s32 s18, $0x1;
	p1 =	sne.s32 s21, $0x0  }
0x1a6: {  	s31 =	sshrl.u32 s22, $0x1C;
	p0 =	por !p0, !p1  }
0x1a7: {  	s21 =	simm.s32 $0x1;
	s18 =	sadd.s32 s31, s18;
	p0 =	por !p0, !p0  }
0x1a8: {  	s18 =	sshra.s32 s18, $0x4;
	s21 =	simm.s32 @!p0 $0x0  }
0x1a9: {  	s21 =	ssub.s32 s18, s21  }
0x1aa: {  	p0 =	slt.s32 s21, $0x1  }
.Ltmp24:
0x1ab: {  	_ = 	snop;
	(pc) =	sbr.rel @p0 .LBB2_36-.Ltmp24, $2  }
0x1ac: {  	_ =	sdelay $0x2  }
0x1ad: {  	[hbm4b:s5+s2] =	stream.linear.scatter [tilespmem:s13], [sflag:$0x3], $0x20, $0x38;
	[tilespmem:$0x8200] =	vst v63  }
0x1ae: {  	s31 =	simm.s32 $0x6080;
	p1 =	sne.s32 s21, $0x1  }
.Ltmp25:
0x1af: {  	v3 =	vld [tilespmem:s31+$0x0];
	(pc) =	sbr.rel @!p1 .LBB2_31-.Ltmp25, $4  }
0x1b0: {  	_ = 	snop  }
0x1b1: {  	s18 =	sadd.s32 s20, s19  }
0x1b2: {  	s18 =	ssub.s32 $0x20, s18  }
0x1b3: {  	s19 =	sadd.s32 $0xFFFFFFFF, s21;
	p0 =	por $0x0, $0x0;
	v5 =	vmov s18;
	s18 =	simm.s32 $0x0  }
0x1b4: {  	vm0 =	veq.f32 v3, v4  }
0x1b5: {  	v6 =	vsel vm0, $0x1, v2  }
0x1b6: {  	(xrf0) =	vadd.scan.msk.s32 $0xffff, v6;
	_ =	sdelay $0x5  }
0x1b7: {  	v6, _, _ =	vpop (xrf0)  }
0x1b8: {  	v6 =	vadd.s32 s18, v6  }
0x1b9: {  	vm1 =	vle.s32 v6, v5  }
0x1ba: {  	vm2 =	vgt.f32 v3, v4;
	v6 =	vmpcnt.ones.xlane vm0;
	vm0 =	vmand vm0, vm1  }
0x1bb: {  	vm0 =	vmor vm2, vm0  }
0x1bc: {  	(v2sf) =	vpush v6, $0x0;
	v6 =	vsel vm0, $0x1, v2  }
0x1bd: {  	(xrf0) =	vadd.scan.msk.s32 $0xffff, v6;
	_ =	sdelay $0x1  }
0x1be: {  	v7 =	vmpcnt.ones.xlane vm0  }
0x1bf: {  	v6 =	vmov s18  }
0x1c0: {  	v6 =	vadd.s32 $0xFFFFFFFF, v6  }
0x1c1: {  	(v2sf) =	vpush v7, $0x0;
	v6 =	vbroadcast v6, $0x0  }
0x1c2: {  	v7, _, _ =	vpop (xrf0)  }
0x1c3: {  	v6 =	vadd.s32 v7, v6  }
0x1c4: {  	vm15 =	vgt.s32 v6, $0x0  }
0x1c5: {  	v6 =	vnsel vm15, $0x0, v6  }
0x1c6: {  	v6 =	vmin.u32 v6, $0x3F;
	_ =	sdelay $0x4  }
0x1c7: {  	p1 =	sne.s32 s19, $0x1;
	s22 =	simm.s32 $0x6090;
	[tilespmem:v6+s14+$0x0] =	vst.idx.msk vm0, v3  }
.Ltmp26:
0x1c8: {  	v3 =	vld [tilespmem:s22+$0x0];
	(pc) =	sbr.rel @!p1 .LBB2_33-.Ltmp26, $3  }
0x1c9: {  	_ =	sdelay $0x1  }
0x1ca: {  	s21 =	sadd.s32 $0xFFFFFFFF, s19;
	p0 =	por $0x1, $0x1;
	s20 =	spop (v2sf)  }
0x1cb: {  	s19 =	simm.s32 $0x0;
	s20 =	sadd.s32 $0x0, s20;
	s23 =	spop (v2sf)  }
.LBB2_34:
0x1cc: {  	p1 =	sne.s32 s21, $0x1;
	s21 =	sadd.s32 $0xFFFFFFFF, s21;
	s19 =	sadd.s32 s19, s23  }
0x1cd: {  	v6 =	vmov s19  }
0x1ce: {  	v6 =	vadd.s32 $0xFFFFFFFF, v6;
	_ =	sdelay $0x1  }
0x1cf: {  	vm0 =	veq.f32 v3, v4  }
0x1d0: {  	v7 =	vsel vm0, $0x1, v2;
	v8 =	vmpcnt.ones.xlane vm0  }
0x1d1: {  	(xrf0) =	vadd.scan.msk.s32 $0xffff, v7  }
0x1d2: {  	(v2sf) =	vpush v8, $0x0;
	_ =	sdelay $0x4  }
0x1d3: {  	v7, _, _ =	vpop (xrf0)  }
0x1d4: {  	v7 =	vadd.s32 s20, v7  }
0x1d5: {  	vm1 =	vle.s32 v7, v5  }
0x1d6: {  	vm2 =	vgt.f32 v3, v4;
	vm0 =	vmand vm0, vm1  }
0x1d7: {  	vm0 =	vmor vm2, vm0  }
0x1d8: {  	v7 =	vsel vm0, $0x1, v2;
	v8 =	vmpcnt.ones.xlane vm0  }
0x1d9: {  	(xrf0) =	vadd.scan.msk.s32 $0xffff, v7  }
0x1da: {  	(v2sf) =	vpush v8, $0x0;
	_ =	sdelay $0x2  }
0x1db: {  	s23 =	spop (v2sf)  }
0x1dc: {  	v6 =	vbroadcast v6, $0x0;
	s20 =	sadd.s32 s20, s23  }
0x1dd: {  	v7, _, _ =	vpop (xrf0)  }
0x1de: {  	v6 =	vadd.s32 v7, v6  }
0x1df: {  	vm1 =	vgt.s32 v6, $0x0  }
0x1e0: {  	v6 =	vnsel vm1, $0x0, v6  }
0x1e1: {  	v6 =	vmin.u32 v6, $0x3F;
	_ =	sdelay $0x1  }
.Ltmp27:
0x1e2: {  	(pc) =	sbr.rel @p1 .LBB2_34-.Ltmp27, $3  }
0x1e3: {  	_ =	sdelay $0x1  }
0x1e4: {  	s22 =	sadd.s32 $0x10, s22;
	[tilespmem:v6+s14+$0x0] =	vst.idx.msk vm0, v3  }
0x1e5: {  	v3 =	vld [tilespmem:s22+$0x0];
	s23 =	spop (v2sf)  }
.Ltmp28:
0x1e6: {  	_ = 	snop;
	(pc) =	sbr.rel .LBB2_35-.Ltmp28, $1  }
0x1e7: {  	_ =	sdelay $0x3  }
.LBB2_24:
.Ltmp29:
0x1e8: {  	(pc) =	sbr.rel .LBB2_28-.Ltmp29, $2  }
0x1e9: {  	_ =	sdelay $0x2  }
0x1ea: {  	s22 =	simm.s32 $0x0;
	s23 =	simm.s32 $0x0  }
.LBB2_26:
.Ltmp30:
0x1eb: {  	(pc) =	sbr.rel .LBB2_28-.Ltmp30, $2  }
0x1ec: {  	_ =	sdelay $0x2  }
0x1ed: {  	s22 =	simm.s32 $0x0  }
.LBB2_33:
.Ltmp31:
0x1ee: {  	(pc) =	sbr.rel .LBB2_35-.Ltmp31, $2  }
0x1ef: {  	_ =	sdelay $0x2  }
0x1f0: {  	s19 =	simm.s32 $0x0  }
.LBB2_37:
0x1f1: {  	_ =	sfence.sel $0x180000  }
0x1f2: {  	[bflag:$0x0] =	sbarrier.arrive $0xFFFF  }
0x1f3: {  	p0 =	sne.s32 s1, $0x0;
	_ =	strace $0x90000047  }
0x1f4: {  	s0 =	sadd.s32 @!p0 $0x100000, s0;
	[bflag:$0x2] =	sbarrier.arrive $0xFFFF  }
0x1f5: {  	[sflag:s0] =	ssyncadd.tile.s32 @!p0 $0x1;
	_ =	shalt  }
.Lfunc_end2:
_tile_overlayer_lowered:
.L_overlay_start_2:
0x1f6: {  	(tag) =	ssettag $0x2  }
0x1f7: {  	s0 =	rddreg [dreg:$0x0];
	s2 =	stileid.u32  }
0x1f8: {  	s1 =	rddreg [dreg:$0x1];
	p0 =	sne.s32 s2, $0x0  }
0x1f9: {  	s3 =	rddreg [dreg:$0x2];
	[bflag:$0x3] =	sbarrier.arrive $0xFFFF;
	s2 =	simm.s32 @!p0 $0x1C05  }
0x1fa: {  	[timem:s3], [sflag:s2] =	dma.local @!p0 [hbm:s0], s1  }
0x1fb: {  	s0 =	simm.s32 @!p0 $0x5  }
0x1fc: {  	_ =	swait.ge @!p0 [sflag:s0], s1  }
0x1fd: {  	s1 =	ssub.s32 @!p0 $0x0, s1;
	[sflag:s0] =	ssyncset.done @!p0 $0x0  }
0x1fe: {  	[sflag:s0] =	ssyncadd.s32 @!p0 s1  }
0x1ff: {  	[bflag:$0x3] =	sbarrier.arrive $0xFFFF  }
0x200: {  	_ =	shalt  }

</sc_bundles>
